<compile_context>
chip_gen: v7x
topology: tpu7x:2x2x1
jax: 0.10.2.dev20260603
libtpu: 0.0.44.dev20260713+nightly
codegen_flags: <defaults>
</compile_context>

<pallas_src>
import jax
import jax.numpy as jnp
from jax import lax
from jax.experimental import pallas as pl
from jax.experimental.pallas import tpu as pltpu
from jax.experimental.pallas import tpu_sc as plsc

NC = 2
NS = 16
NW = NC * NS
L = 16
CHUNK = 128


def _mesh():
    return plsc.VectorSubcoreMesh(
        core_axis_name="c", subcore_axis_name="s",
        num_cores=NC, num_subcores=NS,
    )


def _make_sc_agg(d, npad, n_chunks):
    rpt = npad // NS

    def body(h_hbm, src_hbm, dst_hbm, zero_hbm, agg_out,
             src_v, dst_v, rows_v, agg_sh, sem):
        cid = lax.axis_index("c")
        sid = lax.axis_index("s")
        wid = sid * NC + cid
        r0 = sid * rpt
        pltpu.sync_copy(zero_hbm, agg_sh.at[pl.ds(r0, rpt)])
        pltpu.sync_copy(src_hbm.at[wid], src_v)
        pltpu.sync_copy(dst_hbm.at[wid], dst_v)
        plsc.subcore_barrier()

        def step(j, carry):
            pltpu.async_copy(h_hbm.at[src_v.at[j]], rows_v, sem).wait()
            pltpu.sync_copy(rows_v, agg_sh.at[dst_v.at[j]], add=True)
            return carry

        lax.fori_loop(0, n_chunks, step, 0)
        plsc.subcore_barrier()
        pltpu.sync_copy(agg_sh.at[pl.ds(r0, rpt)],
                        agg_out.at[cid, pl.ds(r0, rpt)])

    return pl.kernel(
        body,
        out_type=jax.ShapeDtypeStruct((NC, npad, d), jnp.float32),
        mesh=_mesh(),
        scratch_types=[
            pltpu.VMEM((n_chunks, CHUNK), jnp.int32),
            pltpu.VMEM((n_chunks, CHUNK), jnp.int32),
            pltpu.VMEM((CHUNK, d), jnp.float32),
            pltpu.VMEM_SHARED((npad, d), jnp.float32),
            pltpu.SemaphoreType.DMA,
        ],
    )


def _make_sc_cnt(d, npad, n_chunks):
    rpt = npad // NS

    def body(dst_hbm, zero_hbm, ones_hbm, cnt_out, dst_v, ones_v, cnt_sh):
        cid = lax.axis_index("c")
        sid = lax.axis_index("s")
        wid = sid * NC + cid
        r0 = sid * rpt
        pltpu.sync_copy(zero_hbm, cnt_sh.at[pl.ds(r0, rpt)])
        pltpu.sync_copy(ones_hbm, ones_v)
        pltpu.sync_copy(dst_hbm.at[wid], dst_v)
        plsc.subcore_barrier()

        def step(j, carry):
            pltpu.sync_copy(ones_v, cnt_sh.at[dst_v.at[j]], add=True)
            return carry

        lax.fori_loop(0, n_chunks, step, 0)
        plsc.subcore_barrier()
        pltpu.sync_copy(cnt_sh.at[pl.ds(r0, rpt)],
                        cnt_out.at[cid, pl.ds(r0, rpt)])

    return pl.kernel(
        body,
        out_type=jax.ShapeDtypeStruct((NC, npad, d), jnp.float32),
        mesh=_mesh(),
        scratch_types=[
            pltpu.VMEM((n_chunks, CHUNK), jnp.int32),
            pltpu.VMEM((CHUNK, d), jnp.float32),
            pltpu.VMEM_SHARED((npad, d), jnp.float32),
        ],
    )


def _tc_body(agg_ref, cnt_ref, h_ref, wl_ref, wr_ref, b_ref, out_ref):
    agg = agg_ref[0] + agg_ref[1]
    cnt = cnt_ref[0, :, 0:1] + cnt_ref[1, :, 0:1]
    mean = agg / jnp.maximum(cnt, 1.0)
    acc = jnp.dot(mean, wl_ref[...], preferred_element_type=jnp.float32)
    acc = acc + jnp.dot(h_ref[...], wr_ref[...],
                        preferred_element_type=jnp.float32)
    out_ref[...] = jnp.tanh(acc + b_ref[...])


def _make_tc_layer(n, d, bn):
    return pl.pallas_call(
        _tc_body,
        grid=(n // bn,),
        in_specs=[
            pl.BlockSpec((NC, bn, d), lambda i: (0, i, 0)),
            pl.BlockSpec((NC, bn, d), lambda i: (0, i, 0)),
            pl.BlockSpec((bn, d), lambda i: (i, 0)),
            pl.BlockSpec((d, d), lambda i: (0, 0)),
            pl.BlockSpec((d, d), lambda i: (0, 0)),
            pl.BlockSpec((1, d), lambda i: (0, 0)),
        ],
        out_specs=pl.BlockSpec((bn, d), lambda i: (i, 0)),
        out_shape=jax.ShapeDtypeStruct((n, d), jnp.float32),
    )


def kernel(x, edge_index, W1l, b1, W1r, W2l, b2, W2r, W3l, b3, W3r):
    n, d = x.shape
    e = edge_index.shape[1]

    rpt = -(-(-(-n // NS)) // 8) * 8
    npad = rpt * NS
    epad = -(-e // (NW * CHUNK)) * (NW * CHUNK)
    n_chunks = epad // (NW * CHUNK)

    src = edge_index[0].astype(jnp.int32)
    dst = edge_index[1].astype(jnp.int32)
    src = jnp.pad(src, (0, epad - e)).reshape(NW, n_chunks, CHUNK)
    dst = jnp.pad(dst, (0, epad - e),
                  constant_values=n).reshape(NW, n_chunks, CHUNK)
    zero = jnp.zeros((rpt, d), jnp.float32)
    ones = jnp.ones((CHUNK, d), jnp.float32)

    sc_agg = _make_sc_agg(d, npad, n_chunks)
    sc_cnt = _make_sc_cnt(d, npad, n_chunks)
    bn = 1000 if n % 1000 == 0 else n
    tc_layer = _make_tc_layer(n, d, bn)

    cnt = sc_cnt(dst, zero, ones)
    agg = sc_agg(x, src, dst, zero)
    h1 = tc_layer(agg, cnt, x, W1l, W1r, b1.reshape(1, d))
    agg2 = sc_agg(h1, src, dst, zero)
    h2 = tc_layer(agg2, cnt, h1, W2l, W2r, b2.reshape(1, d))
    agg3 = sc_agg(h2, src, dst, zero)
    h3 = tc_layer(agg3, cnt, h2, W3l, W3r, b3.reshape(1, d))
    return h3

# --- scband reference (transcript-rebuilt; emitter-appended) ---
"""Pipeline reference for scband-aicasage-49735721288419 (READ-ONLY COPY).

The authoritative reference and input builder live on the scoring server;
editing this copy changes nothing except your own understanding.
"""

import jax, jax.numpy as jnp
import numpy as np

N = 10000
E = 320000
D_IN = 128
D_HID = 128
D_OUT = 128


def setup_inputs(seed: int = 0) -> dict:
    key = jax.random.key(seed)
    ks = jax.random.split(key, 12)
    x = jax.random.normal(ks[0], (N, D_IN), dtype=jnp.float32)
    edge_index = jax.random.randint(ks[1], (2, E), 0, N, dtype=jnp.int64)
    def lin(k, fin, fout):
        bound = 1.0 / np.sqrt(fin)
        return jax.random.uniform(k, (fin, fout), jnp.float32, -bound, bound)
    # SAGEConv params: lin_l (neighbor path, with bias), lin_r (root path, no bias)
    W1l = lin(ks[2], D_IN, D_HID); b1 = jnp.zeros((D_HID,), jnp.float32); W1r = lin(ks[3], D_IN, D_HID)
    W2l = lin(ks[4], D_HID, D_HID); b2 = jnp.zeros((D_HID,), jnp.float32); W2r = lin(ks[5], D_HID, D_HID)
    W3l = lin(ks[6], D_HID, D_OUT); b3 = jnp.zeros((D_OUT,), jnp.float32); W3r = lin(ks[7], D_HID, D_OUT)
    return {"x": x, "edge_index": edge_index,
            "W1l": W1l, "b1": b1, "W1r": W1r,
            "W2l": W2l, "b2": b2, "W2r": W2r,
            "W3l": W3l, "b3": b3, "W3r": W3r}


def _sage_conv(x, src, dst, Wl, b, Wr):
    # mean aggregation of source-node features at destination nodes
    msg = jnp.take(x, src, axis=0)                      # gather [E, d]
    agg = jax.ops.segment_sum(msg, dst, num_segments=N)  # scatter-add [N, d]
    cnt = jax.ops.segment_sum(jnp.ones((src.shape[0],), x.dtype), dst, num_segments=N)
    mean = agg / jnp.clip(cnt, 1.0)[:, None]
    return mean @ Wl + b + x @ Wr


def reference(x, edge_index, W1l, b1, W1r, W2l, b2, W2r, W3l, b3, W3r):
    src = edge_index[0]
    dst = edge_index[1]
    h = _sage_conv(x, src, dst, W1l, b1, W1r)
    h = jnp.tanh(h)
    # dropout: eval-mode identity for deterministic reference
    h = _sage_conv(h, src, dst, W2l, b2, W2r)
    h = jnp.tanh(h)
    h = _sage_conv(h, src, dst, W3l, b3, W3r)
    h = jnp.tanh(h)
    return h

if __name__ == "__main__":
    import jax
    _d = setup_inputs()
    print(jax.jit(kernel)(*tuple(_d.values())))

</pallas_src>

<mosaic_0001>
#map = affine_map<(d0, d1) -> (0, 0)>
#map1 = affine_map<(d0, d1) -> (0, 0, 0)>
module attributes {stable_mosaic.version = 14 : i64} {
  func.func @body(%arg0: i32, %arg1: i32, %arg2: memref<10000x128xf32, #tpu.memory_space<hbm>>, %arg3: memref<32x79x128xi32, #tpu.memory_space<hbm>>, %arg4: memref<32x79x128xi32, #tpu.memory_space<hbm>>, %arg5: memref<632x128xf32, #tpu.memory_space<hbm>>, %arg6: memref<2x10112x128xf32, #tpu.memory_space<hbm>>, %arg7: memref<79x128xi32, #tpu.memory_space<vmem>>, %arg8: memref<79x128xi32, #tpu.memory_space<vmem>>, %arg9: memref<128x128xf32, #tpu.memory_space<vmem>>, %arg10: memref<10112x128xf32, #tpu.memory_space<vmem_shared>>, %arg11: memref<!tpu.dma_semaphore, #tpu.memory_space<semaphore_mem>>) attributes {dimension_semantics = [#tpu.dimension_semantics<core_parallel>, #tpu.dimension_semantics<subcore_parallel>], iteration_bounds = array<i64: 2, 16>, scalar_prefetch = 0 : i64, scratch_operands = 5 : i64, tpu.core_type = #tpu.core_type<sc_vector_subcore>, window_params = [{transform_indices = #map}, {transform_indices = #map1}, {transform_indices = #map1}, {transform_indices = #map}, {transform_indices = #map1}]} {
    %mul3A = arith.constant 2 : i32
    %mul3A_0 = arith.muli %arg1, %mul3A : i32
    %add3A = arith.addi %mul3A_0, %arg0 : i32
    %mul3A_1 = arith.constant 632 : i32
    %mul3A_2 = arith.muli %arg1, %mul3A_1 : i32
    "tpu.region"() ({
      %run_scoped3A = tpu.sem_alloc : memref<!tpu.dma_semaphore, #tpu.memory_space<semaphore_mem>>
      %dma_start3A = arith.constant 0 : i32
      %dma_start3A_9 = tpu.memref_slice %arg10[%mul3A_2, %dma_start3A] : memref<10112x128xf32, #tpu.memory_space<vmem_shared>> -> memref<632x128xf32, #tpu.memory_space<vmem_shared>>
      tpu.enqueue_dma source(%arg5 : memref<632x128xf32, #tpu.memory_space<hbm>>) target(%dma_start3A_9 : memref<632x128xf32, #tpu.memory_space<vmem_shared>>) target_semaphore(%run_scoped3A : memref<!tpu.dma_semaphore, #tpu.memory_space<semaphore_mem>>)
      %dma_wait3A = arith.constant 0 : i32
      %dma_wait3A_10 = tpu.memref_slice %arg10[%mul3A_2, %dma_wait3A] : memref<10112x128xf32, #tpu.memory_space<vmem_shared>> -> memref<632x128xf32, #tpu.memory_space<vmem_shared>>
      tpu.wait_dma2 semaphore(%run_scoped3A : memref<!tpu.dma_semaphore, #tpu.memory_space<semaphore_mem>>) src(%arg5 : memref<632x128xf32, #tpu.memory_space<hbm>>) dst(%dma_wait3A_10 : memref<632x128xf32, #tpu.memory_space<vmem_shared>>)
      tpu.yield
    }) : () -> ()
    "tpu.region"() ({
      %run_scoped3A = tpu.sem_alloc : memref<!tpu.dma_semaphore, #tpu.memory_space<semaphore_mem>>
      %dma_start3A = arith.constant 0 : i32
      %dma_start3A_9 = arith.constant 0 : i32
      %dma_start3A_10 = tpu.memref_slice %arg3[%add3A, %dma_start3A, %dma_start3A_9] : memref<32x79x128xi32, #tpu.memory_space<hbm>> -> memref<1x79x128xi32, #tpu.memory_space<hbm>>
      %dma_start3A_11 = tpu.memref_squeeze %dma_start3A_10 : memref<1x79x128xi32, #tpu.memory_space<hbm>> -> memref<79x128xi32, #tpu.memory_space<hbm>>
      %dma_start3A_12 = arith.constant 0 : i32
      %dma_start3A_13 = arith.constant 0 : i32
      %dma_start3A_14 = tpu.memref_slice %arg3[%add3A, %dma_start3A_12, %dma_start3A_13] : memref<32x79x128xi32, #tpu.memory_space<hbm>> -> memref<1x79x128xi32, #tpu.memory_space<hbm>>
      %dma_start3A_15 = tpu.memref_squeeze %dma_start3A_14 : memref<1x79x128xi32, #tpu.memory_space<hbm>> -> memref<79x128xi32, #tpu.memory_space<hbm>>
      tpu.enqueue_dma source(%dma_start3A_15 : memref<79x128xi32, #tpu.memory_space<hbm>>) target(%arg7 : memref<79x128xi32, #tpu.memory_space<vmem>>) target_semaphore(%run_scoped3A : memref<!tpu.dma_semaphore, #tpu.memory_space<semaphore_mem>>)
      %dma_wait3A = arith.constant 0 : i32
      %dma_wait3A_16 = arith.constant 0 : i32
      %dma_wait3A_17 = tpu.memref_slice %arg3[%add3A, %dma_wait3A, %dma_wait3A_16] : memref<32x79x128xi32, #tpu.memory_space<hbm>> -> memref<1x79x128xi32, #tpu.memory_space<hbm>>
      %dma_wait3A_18 = tpu.memref_squeeze %dma_wait3A_17 : memref<1x79x128xi32, #tpu.memory_space<hbm>> -> memref<79x128xi32, #tpu.memory_space<hbm>>
      %dma_wait3A_19 = arith.constant 0 : i32
      %dma_wait3A_20 = arith.constant 0 : i32
      %dma_wait3A_21 = tpu.memref_slice %arg3[%add3A, %dma_wait3A_19, %dma_wait3A_20] : memref<32x79x128xi32, #tpu.memory_space<hbm>> -> memref<1x79x128xi32, #tpu.memory_space<hbm>>
      %dma_wait3A_22 = tpu.memref_squeeze %dma_wait3A_21 : memref<1x79x128xi32, #tpu.memory_space<hbm>> -> memref<79x128xi32, #tpu.memory_space<hbm>>
      tpu.wait_dma2 semaphore(%run_scoped3A : memref<!tpu.dma_semaphore, #tpu.memory_space<semaphore_mem>>) src(%dma_wait3A_22 : memref<79x128xi32, #tpu.memory_space<hbm>>) dst(%arg7 : memref<79x128xi32, #tpu.memory_space<vmem>>)
      tpu.yield
    }) : () -> ()
    "tpu.region"() ({
      %run_scoped3A = tpu.sem_alloc : memref<!tpu.dma_semaphore, #tpu.memory_space<semaphore_mem>>
      %dma_start3A = arith.constant 0 : i32
      %dma_start3A_9 = arith.constant 0 : i32
      %dma_start3A_10 = tpu.memref_slice %arg4[%add3A, %dma_start3A, %dma_start3A_9] : memref<32x79x128xi32, #tpu.memory_space<hbm>> -> memref<1x79x128xi32, #tpu.memory_space<hbm>>
      %dma_start3A_11 = tpu.memref_squeeze %dma_start3A_10 : memref<1x79x128xi32, #tpu.memory_space<hbm>> -> memref<79x128xi32, #tpu.memory_space<hbm>>
      %dma_start3A_12 = arith.constant 0 : i32
      %dma_start3A_13 = arith.constant 0 : i32
      %dma_start3A_14 = tpu.memref_slice %arg4[%add3A, %dma_start3A_12, %dma_start3A_13] : memref<32x79x128xi32, #tpu.memory_space<hbm>> -> memref<1x79x128xi32, #tpu.memory_space<hbm>>
      %dma_start3A_15 = tpu.memref_squeeze %dma_start3A_14 : memref<1x79x128xi32, #tpu.memory_space<hbm>> -> memref<79x128xi32, #tpu.memory_space<hbm>>
      tpu.enqueue_dma source(%dma_start3A_15 : memref<79x128xi32, #tpu.memory_space<hbm>>) target(%arg8 : memref<79x128xi32, #tpu.memory_space<vmem>>) target_semaphore(%run_scoped3A : memref<!tpu.dma_semaphore, #tpu.memory_space<semaphore_mem>>)
      %dma_wait3A = arith.constant 0 : i32
      %dma_wait3A_16 = arith.constant 0 : i32
      %dma_wait3A_17 = tpu.memref_slice %arg4[%add3A, %dma_wait3A, %dma_wait3A_16] : memref<32x79x128xi32, #tpu.memory_space<hbm>> -> memref<1x79x128xi32, #tpu.memory_space<hbm>>
      %dma_wait3A_18 = tpu.memref_squeeze %dma_wait3A_17 : memref<1x79x128xi32, #tpu.memory_space<hbm>> -> memref<79x128xi32, #tpu.memory_space<hbm>>
      %dma_wait3A_19 = arith.constant 0 : i32
      %dma_wait3A_20 = arith.constant 0 : i32
      %dma_wait3A_21 = tpu.memref_slice %arg4[%add3A, %dma_wait3A_19, %dma_wait3A_20] : memref<32x79x128xi32, #tpu.memory_space<hbm>> -> memref<1x79x128xi32, #tpu.memory_space<hbm>>
      %dma_wait3A_22 = tpu.memref_squeeze %dma_wait3A_21 : memref<1x79x128xi32, #tpu.memory_space<hbm>> -> memref<79x128xi32, #tpu.memory_space<hbm>>
      tpu.wait_dma2 semaphore(%run_scoped3A : memref<!tpu.dma_semaphore, #tpu.memory_space<semaphore_mem>>) src(%dma_wait3A_22 : memref<79x128xi32, #tpu.memory_space<hbm>>) dst(%arg8 : memref<79x128xi32, #tpu.memory_space<vmem>>)
      tpu.yield
    }) : () -> ()
    %barrier3A = arith.constant 0 : index
    tpu.barrier barrier_id(%barrier3A)
    %scan3A = arith.constant 0 : i32
    %scan3A_3 = arith.constant 0 : i32
    %scan3A_4 = arith.constant 79 : i32
    %scan3A_5 = arith.addi %scan3A_3, %scan3A_4 : i32
    %scan3A_6 = arith.constant 1 : i32
    scf.for %scan3A_9 = %scan3A_3 to %scan3A_5 step %scan3A_6  : i32 {
      %dma_start3A = arith.constant 0 : i32
      %dma_start3A_10 = tpu.memref_slice %arg7[%scan3A_9, %dma_start3A] : memref<79x128xi32, #tpu.memory_space<vmem>> -> memref<1x128xi32, #tpu.memory_space<vmem>>
      %dma_start3A_11 = tpu.memref_squeeze %dma_start3A_10 : memref<1x128xi32, #tpu.memory_space<vmem>> -> memref<128xi32, #tpu.memory_space<vmem>>
      %dma_start3A_12 = arith.constant 0 : i32
      %dma_start3A_13 = arith.constant 0 : i32
      %dma_start3A_14 = tpu.memref_slice %arg2[%dma_start3A_12, %dma_start3A_13] : memref<10000x128xf32, #tpu.memory_space<hbm>> -> memref<10000x128xf32, #tpu.memory_space<hbm>>
      tpu.enqueue_indirect_dma source(%dma_start3A_14 : memref<10000x128xf32, #tpu.memory_space<hbm>>) target(%arg9 : memref<128x128xf32, #tpu.memory_space<vmem>>) offsets(%dma_start3A_11 : memref<128xi32, #tpu.memory_space<vmem>>) semaphore(%arg11 : memref<!tpu.dma_semaphore, #tpu.memory_space<semaphore_mem>>)
      %dma_wait3A = arith.constant 0 : i32
      %dma_wait3A_15 = tpu.memref_slice %arg7[%scan3A_9, %dma_wait3A] : memref<79x128xi32, #tpu.memory_space<vmem>> -> memref<1x128xi32, #tpu.memory_space<vmem>>
      %dma_wait3A_16 = tpu.memref_squeeze %dma_wait3A_15 : memref<1x128xi32, #tpu.memory_space<vmem>> -> memref<128xi32, #tpu.memory_space<vmem>>
      %dma_wait3A_17 = arith.constant 0 : i32
      %dma_wait3A_18 = arith.constant 0 : i32
      %dma_wait3A_19 = tpu.memref_slice %arg2[%dma_wait3A_17, %dma_wait3A_18] : memref<10000x128xf32, #tpu.memory_space<hbm>> -> memref<10000x128xf32, #tpu.memory_space<hbm>>
      tpu.wait_indirect_dma semaphore(%arg11 : memref<!tpu.dma_semaphore, #tpu.memory_space<semaphore_mem>>) src(%dma_wait3A_19 : memref<10000x128xf32, #tpu.memory_space<hbm>>) dst(%arg9 : memref<128x128xf32, #tpu.memory_space<vmem>>)
      "tpu.region"() ({
        %run_scoped3A = tpu.sem_alloc : memref<!tpu.dma_semaphore, #tpu.memory_space<semaphore_mem>>
        %dma_start3A_20 = arith.constant 0 : i32
        %dma_start3A_21 = tpu.memref_slice %arg8[%scan3A_9, %dma_start3A_20] : memref<79x128xi32, #tpu.memory_space<vmem>> -> memref<1x128xi32, #tpu.memory_space<vmem>>
        %dma_start3A_22 = tpu.memref_squeeze %dma_start3A_21 : memref<1x128xi32, #tpu.memory_space<vmem>> -> memref<128xi32, #tpu.memory_space<vmem>>
        %dma_start3A_23 = arith.constant 0 : i32
        %dma_start3A_24 = arith.constant 0 : i32
        %dma_start3A_25 = tpu.memref_slice %arg10[%dma_start3A_23, %dma_start3A_24] : memref<10112x128xf32, #tpu.memory_space<vmem_shared>> -> memref<10112x128xf32, #tpu.memory_space<vmem_shared>>
        tpu.enqueue_indirect_dma source(%arg9 : memref<128x128xf32, #tpu.memory_space<vmem>>) target(%dma_start3A_25 : memref<10112x128xf32, #tpu.memory_space<vmem_shared>>) offsets(%dma_start3A_22 : memref<128xi32, #tpu.memory_space<vmem>>) semaphore(%run_scoped3A : memref<!tpu.dma_semaphore, #tpu.memory_space<semaphore_mem>>) {add = true}
        %dma_wait3A_26 = arith.constant 0 : i32
        %dma_wait3A_27 = tpu.memref_slice %arg8[%scan3A_9, %dma_wait3A_26] : memref<79x128xi32, #tpu.memory_space<vmem>> -> memref<1x128xi32, #tpu.memory_space<vmem>>
        %dma_wait3A_28 = tpu.memref_squeeze %dma_wait3A_27 : memref<1x128xi32, #tpu.memory_space<vmem>> -> memref<128xi32, #tpu.memory_space<vmem>>
        %dma_wait3A_29 = arith.constant 0 : i32
        %dma_wait3A_30 = arith.constant 0 : i32
        %dma_wait3A_31 = tpu.memref_slice %arg10[%dma_wait3A_29, %dma_wait3A_30] : memref<10112x128xf32, #tpu.memory_space<vmem_shared>> -> memref<10112x128xf32, #tpu.memory_space<vmem_shared>>
        tpu.wait_indirect_dma semaphore(%run_scoped3A : memref<!tpu.dma_semaphore, #tpu.memory_space<semaphore_mem>>) src(%arg9 : memref<128x128xf32, #tpu.memory_space<vmem>>) dst(%dma_wait3A_31 : memref<10112x128xf32, #tpu.memory_space<vmem_shared>>)
        tpu.yield
      }) : () -> ()
    }
    %scan3A_7 = arith.constant 79 : i32
    %barrier3A_8 = arith.constant 0 : index
    tpu.barrier barrier_id(%barrier3A_8)
    "tpu.region"() ({
      %run_scoped3A = tpu.sem_alloc : memref<!tpu.dma_semaphore, #tpu.memory_space<semaphore_mem>>
      %dma_start3A = arith.constant 0 : i32
      %dma_start3A_9 = tpu.memref_slice %arg6[%arg0, %mul3A_2, %dma_start3A] : memref<2x10112x128xf32, #tpu.memory_space<hbm>> -> memref<1x632x128xf32, #tpu.memory_space<hbm>>
      %dma_start3A_10 = tpu.memref_squeeze %dma_start3A_9 : memref<1x632x128xf32, #tpu.memory_space<hbm>> -> memref<632x128xf32, #tpu.memory_space<hbm>>
      %dma_start3A_11 = arith.constant 0 : i32
      %dma_start3A_12 = tpu.memref_slice %arg10[%mul3A_2, %dma_start3A_11] : memref<10112x128xf32, #tpu.memory_space<vmem_shared>> -> memref<632x128xf32, #tpu.memory_space<vmem_shared>>
      tpu.enqueue_dma source(%dma_start3A_12 : memref<632x128xf32, #tpu.memory_space<vmem_shared>>) target(%dma_start3A_10 : memref<632x128xf32, #tpu.memory_space<hbm>>) target_semaphore(%run_scoped3A : memref<!tpu.dma_semaphore, #tpu.memory_space<semaphore_mem>>)
      %dma_wait3A = arith.constant 0 : i32
      %dma_wait3A_13 = tpu.memref_slice %arg6[%arg0, %mul3A_2, %dma_wait3A] : memref<2x10112x128xf32, #tpu.memory_space<hbm>> -> memref<1x632x128xf32, #tpu.memory_space<hbm>>
      %dma_wait3A_14 = tpu.memref_squeeze %dma_wait3A_13 : memref<1x632x128xf32, #tpu.memory_space<hbm>> -> memref<632x128xf32, #tpu.memory_space<hbm>>
      %dma_wait3A_15 = arith.constant 0 : i32
      %dma_wait3A_16 = tpu.memref_slice %arg10[%mul3A_2, %dma_wait3A_15] : memref<10112x128xf32, #tpu.memory_space<vmem_shared>> -> memref<632x128xf32, #tpu.memory_space<vmem_shared>>
      tpu.wait_dma2 semaphore(%run_scoped3A : memref<!tpu.dma_semaphore, #tpu.memory_space<semaphore_mem>>) src(%dma_wait3A_16 : memref<632x128xf32, #tpu.memory_space<vmem_shared>>) dst(%dma_wait3A_14 : memref<632x128xf32, #tpu.memory_space<hbm>>)
      tpu.yield
    }) : () -> ()
    return
  }
}

#map = affine_map<(d0, d1) -> (0, 0)>
#map1 = affine_map<(d0, d1) -> (0, 0, 0)>
module attributes {stable_mosaic.version = 14 : i64} {
  func.func @body(%arg0: i32, %arg1: i32, %arg2: memref<10000x128xf32, #tpu.memory_space<hbm>>, %arg3: memref<32x79x128xi32, #tpu.memory_space<hbm>>, %arg4: memref<32x79x128xi32, #tpu.memory_space<hbm>>, %arg5: memref<632x128xf32, #tpu.memory_space<hbm>>, %arg6: memref<2x10112x128xf32, #tpu.memory_space<hbm>>, %arg7: memref<79x128xi32, #tpu.memory_space<vmem>>, %arg8: memref<79x128xi32, #tpu.memory_space<vmem>>, %arg9: memref<128x128xf32, #tpu.memory_space<vmem>>, %arg10: memref<10112x128xf32, #tpu.memory_space<vmem_shared>>, %arg11: memref<!tpu.dma_semaphore, #tpu.memory_space<semaphore_mem>>) attributes {dimension_semantics = [#tpu.dimension_semantics<core_parallel>, #tpu.dimension_semantics<subcore_parallel>], iteration_bounds = array<i64: 2, 16>, scalar_prefetch = 0 : i64, scratch_operands = 5 : i64, tpu.core_type = #tpu.core_type<sc_vector_subcore>, window_params = [{transform_indices = #map}, {transform_indices = #map1}, {transform_indices = #map1}, {transform_indices = #map}, {transform_indices = #map1}]} {
    %mul3A = arith.constant 2 : i32
    %mul3A_0 = arith.muli %arg1, %mul3A : i32
    %add3A = arith.addi %mul3A_0, %arg0 : i32
    %mul3A_1 = arith.constant 632 : i32
    %mul3A_2 = arith.muli %arg1, %mul3A_1 : i32
    "tpu.region"() ({
      %run_scoped3A = tpu.sem_alloc : memref<!tpu.dma_semaphore, #tpu.memory_space<semaphore_mem>>
      %dma_start3A = arith.constant 0 : i32
      %dma_start3A_9 = tpu.memref_slice %arg10[%mul3A_2, %dma_start3A] : memref<10112x128xf32, #tpu.memory_space<vmem_shared>> -> memref<632x128xf32, #tpu.memory_space<vmem_shared>>
      tpu.enqueue_dma source(%arg5 : memref<632x128xf32, #tpu.memory_space<hbm>>) target(%dma_start3A_9 : memref<632x128xf32, #tpu.memory_space<vmem_shared>>) target_semaphore(%run_scoped3A : memref<!tpu.dma_semaphore, #tpu.memory_space<semaphore_mem>>)
      %dma_wait3A = arith.constant 0 : i32
      %dma_wait3A_10 = tpu.memref_slice %arg10[%mul3A_2, %dma_wait3A] : memref<10112x128xf32, #tpu.memory_space<vmem_shared>> -> memref<632x128xf32, #tpu.memory_space<vmem_shared>>
      tpu.wait_dma2 semaphore(%run_scoped3A : memref<!tpu.dma_semaphore, #tpu.memory_space<semaphore_mem>>) src(%arg5 : memref<632x128xf32, #tpu.memory_space<hbm>>) dst(%dma_wait3A_10 : memref<632x128xf32, #tpu.memory_space<vmem_shared>>)
      tpu.yield
    }) : () -> ()
    "tpu.region"() ({
      %run_scoped3A = tpu.sem_alloc : memref<!tpu.dma_semaphore, #tpu.memory_space<semaphore_mem>>
      %dma_start3A = arith.constant 0 : i32
      %dma_start3A_9 = arith.constant 0 : i32
      %dma_start3A_10 = tpu.memref_slice %arg3[%add3A, %dma_start3A, %dma_start3A_9] : memref<32x79x128xi32, #tpu.memory_space<hbm>> -> memref<1x79x128xi32, #tpu.memory_space<hbm>>
      %dma_start3A_11 = tpu.memref_squeeze %dma_start3A_10 : memref<1x79x128xi32, #tpu.memory_space<hbm>> -> memref<79x128xi32, #tpu.memory_space<hbm>>
      %dma_start3A_12 = arith.constant 0 : i32
      %dma_start3A_13 = arith.constant 0 : i32
      %dma_start3A_14 = tpu.memref_slice %arg3[%add3A, %dma_start3A_12, %dma_start3A_13] : memref<32x79x128xi32, #tpu.memory_space<hbm>> -> memref<1x79x128xi32, #tpu.memory_space<hbm>>
      %dma_start3A_15 = tpu.memref_squeeze %dma_start3A_14 : memref<1x79x128xi32, #tpu.memory_space<hbm>> -> memref<79x128xi32, #tpu.memory_space<hbm>>
      tpu.enqueue_dma source(%dma_start3A_15 : memref<79x128xi32, #tpu.memory_space<hbm>>) target(%arg7 : memref<79x128xi32, #tpu.memory_space<vmem>>) target_semaphore(%run_scoped3A : memref<!tpu.dma_semaphore, #tpu.memory_space<semaphore_mem>>)
      %dma_wait3A = arith.constant 0 : i32
      %dma_wait3A_16 = arith.constant 0 : i32
      %dma_wait3A_17 = tpu.memref_slice %arg3[%add3A, %dma_wait3A, %dma_wait3A_16] : memref<32x79x128xi32, #tpu.memory_space<hbm>> -> memref<1x79x128xi32, #tpu.memory_space<hbm>>
      %dma_wait3A_18 = tpu.memref_squeeze %dma_wait3A_17 : memref<1x79x128xi32, #tpu.memory_space<hbm>> -> memref<79x128xi32, #tpu.memory_space<hbm>>
      %dma_wait3A_19 = arith.constant 0 : i32
      %dma_wait3A_20 = arith.constant 0 : i32
      %dma_wait3A_21 = tpu.memref_slice %arg3[%add3A, %dma_wait3A_19, %dma_wait3A_20] : memref<32x79x128xi32, #tpu.memory_space<hbm>> -> memref<1x79x128xi32, #tpu.memory_space<hbm>>
      %dma_wait3A_22 = tpu.memref_squeeze %dma_wait3A_21 : memref<1x79x128xi32, #tpu.memory_space<hbm>> -> memref<79x128xi32, #tpu.memory_space<hbm>>
      tpu.wait_dma2 semaphore(%run_scoped3A : memref<!tpu.dma_semaphore, #tpu.memory_space<semaphore_mem>>) src(%dma_wait3A_22 : memref<79x128xi32, #tpu.memory_space<hbm>>) dst(%arg7 : memref<79x128xi32, #tpu.memory_space<vmem>>)
      tpu.yield
    }) : () -> ()
    "tpu.region"() ({
      %run_scoped3A = tpu.sem_alloc : memref<!tpu.dma_semaphore, #tpu.memory_space<semaphore_mem>>
      %dma_start3A = arith.constant 0 : i32
      %dma_start3A_9 = arith.constant 0 : i32
      %dma_start3A_10 = tpu.memref_slice %arg4[%add3A, %dma_start3A, %dma_start3A_9] : memref<32x79x128xi32, #tpu.memory_space<hbm>> -> memref<1x79x128xi32, #tpu.memory_space<hbm>>
      %dma_start3A_11 = tpu.memref_squeeze %dma_start3A_10 : memref<1x79x128xi32, #tpu.memory_space<hbm>> -> memref<79x128xi32, #tpu.memory_space<hbm>>
      %dma_start3A_12 = arith.constant 0 : i32
      %dma_start3A_13 = arith.constant 0 : i32
      %dma_start3A_14 = tpu.memref_slice %arg4[%add3A, %dma_start3A_12, %dma_start3A_13] : memref<32x79x128xi32, #tpu.memory_space<hbm>> -> memref<1x79x128xi32, #tpu.memory_space<hbm>>
      %dma_start3A_15 = tpu.memref_squeeze %dma_start3A_14 : memref<1x79x128xi32, #tpu.memory_space<hbm>> -> memref<79x128xi32, #tpu.memory_space<hbm>>
      tpu.enqueue_dma source(%dma_start3A_15 : memref<79x128xi32, #tpu.memory_space<hbm>>) target(%arg8 : memref<79x128xi32, #tpu.memory_space<vmem>>) target_semaphore(%run_scoped3A : memref<!tpu.dma_semaphore, #tpu.memory_space<semaphore_mem>>)
      %dma_wait3A = arith.constant 0 : i32
      %dma_wait3A_16 = arith.constant 0 : i32
      %dma_wait3A_17 = tpu.memref_slice %arg4[%add3A, %dma_wait3A, %dma_wait3A_16] : memref<32x79x128xi32, #tpu.memory_space<hbm>> -> memref<1x79x128xi32, #tpu.memory_space<hbm>>
      %dma_wait3A_18 = tpu.memref_squeeze %dma_wait3A_17 : memref<1x79x128xi32, #tpu.memory_space<hbm>> -> memref<79x128xi32, #tpu.memory_space<hbm>>
      %dma_wait3A_19 = arith.constant 0 : i32
      %dma_wait3A_20 = arith.constant 0 : i32
      %dma_wait3A_21 = tpu.memref_slice %arg4[%add3A, %dma_wait3A_19, %dma_wait3A_20] : memref<32x79x128xi32, #tpu.memory_space<hbm>> -> memref<1x79x128xi32, #tpu.memory_space<hbm>>
      %dma_wait3A_22 = tpu.memref_squeeze %dma_wait3A_21 : memref<1x79x128xi32, #tpu.memory_space<hbm>> -> memref<79x128xi32, #tpu.memory_space<hbm>>
      tpu.wait_dma2 semaphore(%run_scoped3A : memref<!tpu.dma_semaphore, #tpu.memory_space<semaphore_mem>>) src(%dma_wait3A_22 : memref<79x128xi32, #tpu.memory_space<hbm>>) dst(%arg8 : memref<79x128xi32, #tpu.memory_space<vmem>>)
      tpu.yield
    }) : () -> ()
    %barrier3A = arith.constant 0 : index
    tpu.barrier barrier_id(%barrier3A)
    %scan3A = arith.constant 0 : i32
    %scan3A_3 = arith.constant 0 : i32
    %scan3A_4 = arith.constant 79 : i32
    %scan3A_5 = arith.addi %scan3A_3, %scan3A_4 : i32
    %scan3A_6 = arith.constant 1 : i32
    scf.for %scan3A_9 = %scan3A_3 to %scan3A_5 step %scan3A_6  : i32 {
      %dma_start3A = arith.constant 0 : i32
      %dma_start3A_10 = tpu.memref_slice %arg7[%scan3A_9, %dma_start3A] : memref<79x128xi32, #tpu.memory_space<vmem>> -> memref<1x128xi32, #tpu.memory_space<vmem>>
      %dma_start3A_11 = tpu.memref_squeeze %dma_start3A_10 : memref<1x128xi32, #tpu.memory_space<vmem>> -> memref<128xi32, #tpu.memory_space<vmem>>
      %dma_start3A_12 = arith.constant 0 : i32
      %dma_start3A_13 = arith.constant 0 : i32
      %dma_start3A_14 = tpu.memref_slice %arg2[%dma_start3A_12, %dma_start3A_13] : memref<10000x128xf32, #tpu.memory_space<hbm>> -> memref<10000x128xf32, #tpu.memory_space<hbm>>
      tpu.enqueue_indirect_dma source(%dma_start3A_14 : memref<10000x128xf32, #tpu.memory_space<hbm>>) target(%arg9 : memref<128x128xf32, #tpu.memory_space<vmem>>) offsets(%dma_start3A_11 : memref<128xi32, #tpu.memory_space<vmem>>) semaphore(%arg11 : memref<!tpu.dma_semaphore, #tpu.memory_space<semaphore_mem>>)
      %dma_wait3A = arith.constant 0 : i32
      %dma_wait3A_15 = tpu.memref_slice %arg7[%scan3A_9, %dma_wait3A] : memref<79x128xi32, #tpu.memory_space<vmem>> -> memref<1x128xi32, #tpu.memory_space<vmem>>
      %dma_wait3A_16 = tpu.memref_squeeze %dma_wait3A_15 : memref<1x128xi32, #tpu.memory_space<vmem>> -> memref<128xi32, #tpu.memory_space<vmem>>
      %dma_wait3A_17 = arith.constant 0 : i32
      %dma_wait3A_18 = arith.constant 0 : i32
      %dma_wait3A_19 = tpu.memref_slice %arg2[%dma_wait3A_17, %dma_wait3A_18] : memref<10000x128xf32, #tpu.memory_space<hbm>> -> memref<10000x128xf32, #tpu.memory_space<hbm>>
      tpu.wait_indirect_dma semaphore(%arg11 : memref<!tpu.dma_semaphore, #tpu.memory_space<semaphore_mem>>) src(%dma_wait3A_19 : memref<10000x128xf32, #tpu.memory_space<hbm>>) dst(%arg9 : memref<128x128xf32, #tpu.memory_space<vmem>>)
      "tpu.region"() ({
        %run_scoped3A = tpu.sem_alloc : memref<!tpu.dma_semaphore, #tpu.memory_space<semaphore_mem>>
        %dma_start3A_20 = arith.constant 0 : i32
        %dma_start3A_21 = tpu.memref_slice %arg8[%scan3A_9, %dma_start3A_20] : memref<79x128xi32, #tpu.memory_space<vmem>> -> memref<1x128xi32, #tpu.memory_space<vmem>>
        %dma_start3A_22 = tpu.memref_squeeze %dma_start3A_21 : memref<1x128xi32, #tpu.memory_space<vmem>> -> memref<128xi32, #tpu.memory_space<vmem>>
        %dma_start3A_23 = arith.constant 0 : i32
        %dma_start3A_24 = arith.constant 0 : i32
        %dma_start3A_25 = tpu.memref_slice %arg10[%dma_start3A_23, %dma_start3A_24] : memref<10112x128xf32, #tpu.memory_space<vmem_shared>> -> memref<10112x128xf32, #tpu.memory_space<vmem_shared>>
        tpu.enqueue_indirect_dma source(%arg9 : memref<128x128xf32, #tpu.memory_space<vmem>>) target(%dma_start3A_25 : memref<10112x128xf32, #tpu.memory_space<vmem_shared>>) offsets(%dma_start3A_22 : memref<128xi32, #tpu.memory_space<vmem>>) semaphore(%run_scoped3A : memref<!tpu.dma_semaphore, #tpu.memory_space<semaphore_mem>>) {add = true}
        %dma_wait3A_26 = arith.constant 0 : i32
        %dma_wait3A_27 = tpu.memref_slice %arg8[%scan3A_9, %dma_wait3A_26] : memref<79x128xi32, #tpu.memory_space<vmem>> -> memref<1x128xi32, #tpu.memory_space<vmem>>
        %dma_wait3A_28 = tpu.memref_squeeze %dma_wait3A_27 : memref<1x128xi32, #tpu.memory_space<vmem>> -> memref<128xi32, #tpu.memory_space<vmem>>
        %dma_wait3A_29 = arith.constant 0 : i32
        %dma_wait3A_30 = arith.constant 0 : i32
        %dma_wait3A_31 = tpu.memref_slice %arg10[%dma_wait3A_29, %dma_wait3A_30] : memref<10112x128xf32, #tpu.memory_space<vmem_shared>> -> memref<10112x128xf32, #tpu.memory_space<vmem_shared>>
        tpu.wait_indirect_dma semaphore(%run_scoped3A : memref<!tpu.dma_semaphore, #tpu.memory_space<semaphore_mem>>) src(%arg9 : memref<128x128xf32, #tpu.memory_space<vmem>>) dst(%dma_wait3A_31 : memref<10112x128xf32, #tpu.memory_space<vmem_shared>>)
        tpu.yield
      }) : () -> ()
    }
    %scan3A_7 = arith.constant 79 : i32
    %barrier3A_8 = arith.constant 0 : index
    tpu.barrier barrier_id(%barrier3A_8)
    "tpu.region"() ({
      %run_scoped3A = tpu.sem_alloc : memref<!tpu.dma_semaphore, #tpu.memory_space<semaphore_mem>>
      %dma_start3A = arith.constant 0 : i32
      %dma_start3A_9 = tpu.memref_slice %arg6[%arg0, %mul3A_2, %dma_start3A] : memref<2x10112x128xf32, #tpu.memory_space<hbm>> -> memref<1x632x128xf32, #tpu.memory_space<hbm>>
      %dma_start3A_10 = tpu.memref_squeeze %dma_start3A_9 : memref<1x632x128xf32, #tpu.memory_space<hbm>> -> memref<632x128xf32, #tpu.memory_space<hbm>>
      %dma_start3A_11 = arith.constant 0 : i32
      %dma_start3A_12 = tpu.memref_slice %arg10[%mul3A_2, %dma_start3A_11] : memref<10112x128xf32, #tpu.memory_space<vmem_shared>> -> memref<632x128xf32, #tpu.memory_space<vmem_shared>>
      tpu.enqueue_dma source(%dma_start3A_12 : memref<632x128xf32, #tpu.memory_space<vmem_shared>>) target(%dma_start3A_10 : memref<632x128xf32, #tpu.memory_space<hbm>>) target_semaphore(%run_scoped3A : memref<!tpu.dma_semaphore, #tpu.memory_space<semaphore_mem>>)
      %dma_wait3A = arith.constant 0 : i32
      %dma_wait3A_13 = tpu.memref_slice %arg6[%arg0, %mul3A_2, %dma_wait3A] : memref<2x10112x128xf32, #tpu.memory_space<hbm>> -> memref<1x632x128xf32, #tpu.memory_space<hbm>>
      %dma_wait3A_14 = tpu.memref_squeeze %dma_wait3A_13 : memref<1x632x128xf32, #tpu.memory_space<hbm>> -> memref<632x128xf32, #tpu.memory_space<hbm>>
      %dma_wait3A_15 = arith.constant 0 : i32
      %dma_wait3A_16 = tpu.memref_slice %arg10[%mul3A_2, %dma_wait3A_15] : memref<10112x128xf32, #tpu.memory_space<vmem_shared>> -> memref<632x128xf32, #tpu.memory_space<vmem_shared>>
      tpu.wait_dma2 semaphore(%run_scoped3A : memref<!tpu.dma_semaphore, #tpu.memory_space<semaphore_mem>>) src(%dma_wait3A_16 : memref<632x128xf32, #tpu.memory_space<vmem_shared>>) dst(%dma_wait3A_14 : memref<632x128xf32, #tpu.memory_space<hbm>>)
      tpu.yield
    }) : () -> ()
    return
  }
}

#map = affine_map<(d0, d1) -> (0, 0)>
#map1 = affine_map<(d0, d1) -> (0, 0, 0)>
module attributes {stable_mosaic.version = 14 : i64} {
  func.func @body(%arg0: i32, %arg1: i32, %arg2: memref<10000x128xf32, #tpu.memory_space<hbm>>, %arg3: memref<32x79x128xi32, #tpu.memory_space<hbm>>, %arg4: memref<32x79x128xi32, #tpu.memory_space<hbm>>, %arg5: memref<632x128xf32, #tpu.memory_space<hbm>>, %arg6: memref<2x10112x128xf32, #tpu.memory_space<hbm>>, %arg7: memref<79x128xi32, #tpu.memory_space<vmem>>, %arg8: memref<79x128xi32, #tpu.memory_space<vmem>>, %arg9: memref<128x128xf32, #tpu.memory_space<vmem>>, %arg10: memref<10112x128xf32, #tpu.memory_space<vmem_shared>>, %arg11: memref<!tpu.dma_semaphore, #tpu.memory_space<semaphore_mem>>) attributes {dimension_semantics = [#tpu.dimension_semantics<core_parallel>, #tpu.dimension_semantics<subcore_parallel>], iteration_bounds = array<i64: 2, 16>, scalar_prefetch = 0 : i64, scratch_operands = 5 : i64, tpu.core_type = #tpu.core_type<sc_vector_subcore>, window_params = [{transform_indices = #map}, {transform_indices = #map1}, {transform_indices = #map1}, {transform_indices = #map}, {transform_indices = #map1}]} {
    %mul3A = arith.constant 2 : i32
    %mul3A_0 = arith.muli %arg1, %mul3A : i32
    %add3A = arith.addi %mul3A_0, %arg0 : i32
    %mul3A_1 = arith.constant 632 : i32
    %mul3A_2 = arith.muli %arg1, %mul3A_1 : i32
    "tpu.region"() ({
      %run_scoped3A = tpu.sem_alloc : memref<!tpu.dma_semaphore, #tpu.memory_space<semaphore_mem>>
      %dma_start3A = arith.constant 0 : i32
      %dma_start3A_9 = tpu.memref_slice %arg10[%mul3A_2, %dma_start3A] : memref<10112x128xf32, #tpu.memory_space<vmem_shared>> -> memref<632x128xf32, #tpu.memory_space<vmem_shared>>
      tpu.enqueue_dma source(%arg5 : memref<632x128xf32, #tpu.memory_space<hbm>>) target(%dma_start3A_9 : memref<632x128xf32, #tpu.memory_space<vmem_shared>>) target_semaphore(%run_scoped3A : memref<!tpu.dma_semaphore, #tpu.memory_space<semaphore_mem>>)
      %dma_wait3A = arith.constant 0 : i32
      %dma_wait3A_10 = tpu.memref_slice %arg10[%mul3A_2, %dma_wait3A] : memref<10112x128xf32, #tpu.memory_space<vmem_shared>> -> memref<632x128xf32, #tpu.memory_space<vmem_shared>>
      tpu.wait_dma2 semaphore(%run_scoped3A : memref<!tpu.dma_semaphore, #tpu.memory_space<semaphore_mem>>) src(%arg5 : memref<632x128xf32, #tpu.memory_space<hbm>>) dst(%dma_wait3A_10 : memref<632x128xf32, #tpu.memory_space<vmem_shared>>)
      tpu.yield
    }) : () -> ()
    "tpu.region"() ({
      %run_scoped3A = tpu.sem_alloc : memref<!tpu.dma_semaphore, #tpu.memory_space<semaphore_mem>>
      %dma_start3A = arith.constant 0 : i32
      %dma_start3A_9 = arith.constant 0 : i32
      %dma_start3A_10 = tpu.memref_slice %arg3[%add3A, %dma_start3A, %dma_start3A_9] : memref<32x79x128xi32, #tpu.memory_space<hbm>> -> memref<1x79x128xi32, #tpu.memory_space<hbm>>
      %dma_start3A_11 = tpu.memref_squeeze %dma_start3A_10 : memref<1x79x128xi32, #tpu.memory_space<hbm>> -> memref<79x128xi32, #tpu.memory_space<hbm>>
      %dma_start3A_12 = arith.constant 0 : i32
      %dma_start3A_13 = arith.constant 0 : i32
      %dma_start3A_14 = tpu.memref_slice %arg3[%add3A, %dma_start3A_12, %dma_start3A_13] : memref<32x79x128xi32, #tpu.memory_space<hbm>> -> memref<1x79x128xi32, #tpu.memory_space<hbm>>
      %dma_start3A_15 = tpu.memref_squeeze %dma_start3A_14 : memref<1x79x128xi32, #tpu.memory_space<hbm>> -> memref<79x128xi32, #tpu.memory_space<hbm>>
      tpu.enqueue_dma source(%dma_start3A_15 : memref<79x128xi32, #tpu.memory_space<hbm>>) target(%arg7 : memref<79x128xi32, #tpu.memory_space<vmem>>) target_semaphore(%run_scoped3A : memref<!tpu.dma_semaphore, #tpu.memory_space<semaphore_mem>>)
      %dma_wait3A = arith.constant 0 : i32
      %dma_wait3A_16 = arith.constant 0 : i32
      %dma_wait3A_17 = tpu.memref_slice %arg3[%add3A, %dma_wait3A, %dma_wait3A_16] : memref<32x79x128xi32, #tpu.memory_space<hbm>> -> memref<1x79x128xi32, #tpu.memory_space<hbm>>
      %dma_wait3A_18 = tpu.memref_squeeze %dma_wait3A_17 : memref<1x79x128xi32, #tpu.memory_space<hbm>> -> memref<79x128xi32, #tpu.memory_space<hbm>>
      %dma_wait3A_19 = arith.constant 0 : i32
      %dma_wait3A_20 = arith.constant 0 : i32
      %dma_wait3A_21 = tpu.memref_slice %arg3[%add3A, %dma_wait3A_19, %dma_wait3A_20] : memref<32x79x128xi32, #tpu.memory_space<hbm>> -> memref<1x79x128xi32, #tpu.memory_space<hbm>>
      %dma_wait3A_22 = tpu.memref_squeeze %dma_wait3A_21 : memref<1x79x128xi32, #tpu.memory_space<hbm>> -> memref<79x128xi32, #tpu.memory_space<hbm>>
      tpu.wait_dma2 semaphore(%run_scoped3A : memref<!tpu.dma_semaphore, #tpu.memory_space<semaphore_mem>>) src(%dma_wait3A_22 : memref<79x128xi32, #tpu.memory_space<hbm>>) dst(%arg7 : memref<79x128xi32, #tpu.memory_space<vmem>>)
      tpu.yield
    }) : () -> ()
    "tpu.region"() ({
      %run_scoped3A = tpu.sem_alloc : memref<!tpu.dma_semaphore, #tpu.memory_space<semaphore_mem>>
      %dma_start3A = arith.constant 0 : i32
      %dma_start3A_9 = arith.constant 0 : i32
      %dma_start3A_10 = tpu.memref_slice %arg4[%add3A, %dma_start3A, %dma_start3A_9] : memref<32x79x128xi32, #tpu.memory_space<hbm>> -> memref<1x79x128xi32, #tpu.memory_space<hbm>>
      %dma_start3A_11 = tpu.memref_squeeze %dma_start3A_10 : memref<1x79x128xi32, #tpu.memory_space<hbm>> -> memref<79x128xi32, #tpu.memory_space<hbm>>
      %dma_start3A_12 = arith.constant 0 : i32
      %dma_start3A_13 = arith.constant 0 : i32
      %dma_start3A_14 = tpu.memref_slice %arg4[%add3A, %dma_start3A_12, %dma_start3A_13] : memref<32x79x128xi32, #tpu.memory_space<hbm>> -> memref<1x79x128xi32, #tpu.memory_space<hbm>>
      %dma_start3A_15 = tpu.memref_squeeze %dma_start3A_14 : memref<1x79x128xi32, #tpu.memory_space<hbm>> -> memref<79x128xi32, #tpu.memory_space<hbm>>
      tpu.enqueue_dma source(%dma_start3A_15 : memref<79x128xi32, #tpu.memory_space<hbm>>) target(%arg8 : memref<79x128xi32, #tpu.memory_space<vmem>>) target_semaphore(%run_scoped3A : memref<!tpu.dma_semaphore, #tpu.memory_space<semaphore_mem>>)
      %dma_wait3A = arith.constant 0 : i32
      %dma_wait3A_16 = arith.constant 0 : i32
      %dma_wait3A_17 = tpu.memref_slice %arg4[%add3A, %dma_wait3A, %dma_wait3A_16] : memref<32x79x128xi32, #tpu.memory_space<hbm>> -> memref<1x79x128xi32, #tpu.memory_space<hbm>>
      %dma_wait3A_18 = tpu.memref_squeeze %dma_wait3A_17 : memref<1x79x128xi32, #tpu.memory_space<hbm>> -> memref<79x128xi32, #tpu.memory_space<hbm>>
      %dma_wait3A_19 = arith.constant 0 : i32
      %dma_wait3A_20 = arith.constant 0 : i32
      %dma_wait3A_21 = tpu.memref_slice %arg4[%add3A, %dma_wait3A_19, %dma_wait3A_20] : memref<32x79x128xi32, #tpu.memory_space<hbm>> -> memref<1x79x128xi32, #tpu.memory_space<hbm>>
      %dma_wait3A_22 = tpu.memref_squeeze %dma_wait3A_21 : memref<1x79x128xi32, #tpu.memory_space<hbm>> -> memref<79x128xi32, #tpu.memory_space<hbm>>
      tpu.wait_dma2 semaphore(%run_scoped3A : memref<!tpu.dma_semaphore, #tpu.memory_space<semaphore_mem>>) src(%dma_wait3A_22 : memref<79x128xi32, #tpu.memory_space<hbm>>) dst(%arg8 : memref<79x128xi32, #tpu.memory_space<vmem>>)
      tpu.yield
    }) : () -> ()
    %barrier3A = arith.constant 0 : index
    tpu.barrier barrier_id(%barrier3A)
    %scan3A = arith.constant 0 : i32
    %scan3A_3 = arith.constant 0 : i32
    %scan3A_4 = arith.constant 79 : i32
    %scan3A_5 = arith.addi %scan3A_3, %scan3A_4 : i32
    %scan3A_6 = arith.constant 1 : i32
    scf.for %scan3A_9 = %scan3A_3 to %scan3A_5 step %scan3A_6  : i32 {
      %dma_start3A = arith.constant 0 : i32
      %dma_start3A_10 = tpu.memref_slice %arg7[%scan3A_9, %dma_start3A] : memref<79x128xi32, #tpu.memory_space<vmem>> -> memref<1x128xi32, #tpu.memory_space<vmem>>
      %dma_start3A_11 = tpu.memref_squeeze %dma_start3A_10 : memref<1x128xi32, #tpu.memory_space<vmem>> -> memref<128xi32, #tpu.memory_space<vmem>>
      %dma_start3A_12 = arith.constant 0 : i32
      %dma_start3A_13 = arith.constant 0 : i32
      %dma_start3A_14 = tpu.memref_slice %arg2[%dma_start3A_12, %dma_start3A_13] : memref<10000x128xf32, #tpu.memory_space<hbm>> -> memref<10000x128xf32, #tpu.memory_space<hbm>>
      tpu.enqueue_indirect_dma source(%dma_start3A_14 : memref<10000x128xf32, #tpu.memory_space<hbm>>) target(%arg9 : memref<128x128xf32, #tpu.memory_space<vmem>>) offsets(%dma_start3A_11 : memref<128xi32, #tpu.memory_space<vmem>>) semaphore(%arg11 : memref<!tpu.dma_semaphore, #tpu.memory_space<semaphore_mem>>)
      %dma_wait3A = arith.constant 0 : i32
      %dma_wait3A_15 = tpu.memref_slice %arg7[%scan3A_9, %dma_wait3A] : memref<79x128xi32, #tpu.memory_space<vmem>> -> memref<1x128xi32, #tpu.memory_space<vmem>>
      %dma_wait3A_16 = tpu.memref_squeeze %dma_wait3A_15 : memref<1x128xi32, #tpu.memory_space<vmem>> -> memref<128xi32, #tpu.memory_space<vmem>>
      %dma_wait3A_17 = arith.constant 0 : i32
      %dma_wait3A_18 = arith.constant 0 : i32
      %dma_wait3A_19 = tpu.memref_slice %arg2[%dma_wait3A_17, %dma_wait3A_18] : memref<10000x128xf32, #tpu.memory_space<hbm>> -> memref<10000x128xf32, #tpu.memory_space<hbm>>
      tpu.wait_indirect_dma semaphore(%arg11 : memref<!tpu.dma_semaphore, #tpu.memory_space<semaphore_mem>>) src(%dma_wait3A_19 : memref<10000x128xf32, #tpu.memory_space<hbm>>) dst(%arg9 : memref<128x128xf32, #tpu.memory_space<vmem>>)
      "tpu.region"() ({
        %run_scoped3A = tpu.sem_alloc : memref<!tpu.dma_semaphore, #tpu.memory_space<semaphore_mem>>
        %dma_start3A_20 = arith.constant 0 : i32
        %dma_start3A_21 = tpu.memref_slice %arg8[%scan3A_9, %dma_start3A_20] : memref<79x128xi32, #tpu.memory_space<vmem>> -> memref<1x128xi32, #tpu.memory_space<vmem>>
        %dma_start3A_22 = tpu.memref_squeeze %dma_start3A_21 : memref<1x128xi32, #tpu.memory_space<vmem>> -> memref<128xi32, #tpu.memory_space<vmem>>
        %dma_start3A_23 = arith.constant 0 : i32
        %dma_start3A_24 = arith.constant 0 : i32
        %dma_start3A_25 = tpu.memref_slice %arg10[%dma_start3A_23, %dma_start3A_24] : memref<10112x128xf32, #tpu.memory_space<vmem_shared>> -> memref<10112x128xf32, #tpu.memory_space<vmem_shared>>
        tpu.enqueue_indirect_dma source(%arg9 : memref<128x128xf32, #tpu.memory_space<vmem>>) target(%dma_start3A_25 : memref<10112x128xf32, #tpu.memory_space<vmem_shared>>) offsets(%dma_start3A_22 : memref<128xi32, #tpu.memory_space<vmem>>) semaphore(%run_scoped3A : memref<!tpu.dma_semaphore, #tpu.memory_space<semaphore_mem>>) {add = true}
        %dma_wait3A_26 = arith.constant 0 : i32
        %dma_wait3A_27 = tpu.memref_slice %arg8[%scan3A_9, %dma_wait3A_26] : memref<79x128xi32, #tpu.memory_space<vmem>> -> memref<1x128xi32, #tpu.memory_space<vmem>>
        %dma_wait3A_28 = tpu.memref_squeeze %dma_wait3A_27 : memref<1x128xi32, #tpu.memory_space<vmem>> -> memref<128xi32, #tpu.memory_space<vmem>>
        %dma_wait3A_29 = arith.constant 0 : i32
        %dma_wait3A_30 = arith.constant 0 : i32
        %dma_wait3A_31 = tpu.memref_slice %arg10[%dma_wait3A_29, %dma_wait3A_30] : memref<10112x128xf32, #tpu.memory_space<vmem_shared>> -> memref<10112x128xf32, #tpu.memory_space<vmem_shared>>
        tpu.wait_indirect_dma semaphore(%run_scoped3A : memref<!tpu.dma_semaphore, #tpu.memory_space<semaphore_mem>>) src(%arg9 : memref<128x128xf32, #tpu.memory_space<vmem>>) dst(%dma_wait3A_31 : memref<10112x128xf32, #tpu.memory_space<vmem_shared>>)
        tpu.yield
      }) : () -> ()
    }
    %scan3A_7 = arith.constant 79 : i32
    %barrier3A_8 = arith.constant 0 : index
    tpu.barrier barrier_id(%barrier3A_8)
    "tpu.region"() ({
      %run_scoped3A = tpu.sem_alloc : memref<!tpu.dma_semaphore, #tpu.memory_space<semaphore_mem>>
      %dma_start3A = arith.constant 0 : i32
      %dma_start3A_9 = tpu.memref_slice %arg6[%arg0, %mul3A_2, %dma_start3A] : memref<2x10112x128xf32, #tpu.memory_space<hbm>> -> memref<1x632x128xf32, #tpu.memory_space<hbm>>
      %dma_start3A_10 = tpu.memref_squeeze %dma_start3A_9 : memref<1x632x128xf32, #tpu.memory_space<hbm>> -> memref<632x128xf32, #tpu.memory_space<hbm>>
      %dma_start3A_11 = arith.constant 0 : i32
      %dma_start3A_12 = tpu.memref_slice %arg10[%mul3A_2, %dma_start3A_11] : memref<10112x128xf32, #tpu.memory_space<vmem_shared>> -> memref<632x128xf32, #tpu.memory_space<vmem_shared>>
      tpu.enqueue_dma source(%dma_start3A_12 : memref<632x128xf32, #tpu.memory_space<vmem_shared>>) target(%dma_start3A_10 : memref<632x128xf32, #tpu.memory_space<hbm>>) target_semaphore(%run_scoped3A : memref<!tpu.dma_semaphore, #tpu.memory_space<semaphore_mem>>)
      %dma_wait3A = arith.constant 0 : i32
      %dma_wait3A_13 = tpu.memref_slice %arg6[%arg0, %mul3A_2, %dma_wait3A] : memref<2x10112x128xf32, #tpu.memory_space<hbm>> -> memref<1x632x128xf32, #tpu.memory_space<hbm>>
      %dma_wait3A_14 = tpu.memref_squeeze %dma_wait3A_13 : memref<1x632x128xf32, #tpu.memory_space<hbm>> -> memref<632x128xf32, #tpu.memory_space<hbm>>
      %dma_wait3A_15 = arith.constant 0 : i32
      %dma_wait3A_16 = tpu.memref_slice %arg10[%mul3A_2, %dma_wait3A_15] : memref<10112x128xf32, #tpu.memory_space<vmem_shared>> -> memref<632x128xf32, #tpu.memory_space<vmem_shared>>
      tpu.wait_dma2 semaphore(%run_scoped3A : memref<!tpu.dma_semaphore, #tpu.memory_space<semaphore_mem>>) src(%dma_wait3A_16 : memref<632x128xf32, #tpu.memory_space<vmem_shared>>) dst(%dma_wait3A_14 : memref<632x128xf32, #tpu.memory_space<hbm>>)
      tpu.yield
    }) : () -> ()
    return
  }
}

#map = affine_map<(d0, d1) -> (0, 0, 0)>
#map1 = affine_map<(d0, d1) -> (0, 0)>
module attributes {stable_mosaic.version = 14 : i64} {
  func.func @body(%arg0: i32, %arg1: i32, %arg2: memref<32x79x128xi32, #tpu.memory_space<hbm>>, %arg3: memref<632x128xf32, #tpu.memory_space<hbm>>, %arg4: memref<128x128xf32, #tpu.memory_space<hbm>>, %arg5: memref<2x10112x128xf32, #tpu.memory_space<hbm>>, %arg6: memref<79x128xi32, #tpu.memory_space<vmem>>, %arg7: memref<128x128xf32, #tpu.memory_space<vmem>>, %arg8: memref<10112x128xf32, #tpu.memory_space<vmem_shared>>) attributes {dimension_semantics = [#tpu.dimension_semantics<core_parallel>, #tpu.dimension_semantics<subcore_parallel>], iteration_bounds = array<i64: 2, 16>, scalar_prefetch = 0 : i64, scratch_operands = 3 : i64, tpu.core_type = #tpu.core_type<sc_vector_subcore>, window_params = [{transform_indices = #map}, {transform_indices = #map1}, {transform_indices = #map1}, {transform_indices = #map}]} {
    %mul3A = arith.constant 2 : i32
    %mul3A_0 = arith.muli %arg1, %mul3A : i32
    %add3A = arith.addi %mul3A_0, %arg0 : i32
    %mul3A_1 = arith.constant 632 : i32
    %mul3A_2 = arith.muli %arg1, %mul3A_1 : i32
    "tpu.region"() ({
      %run_scoped3A = tpu.sem_alloc : memref<!tpu.dma_semaphore, #tpu.memory_space<semaphore_mem>>
      %dma_start3A = arith.constant 0 : i32
      %dma_start3A_9 = tpu.memref_slice %arg8[%mul3A_2, %dma_start3A] : memref<10112x128xf32, #tpu.memory_space<vmem_shared>> -> memref<632x128xf32, #tpu.memory_space<vmem_shared>>
      tpu.enqueue_dma source(%arg3 : memref<632x128xf32, #tpu.memory_space<hbm>>) target(%dma_start3A_9 : memref<632x128xf32, #tpu.memory_space<vmem_shared>>) target_semaphore(%run_scoped3A : memref<!tpu.dma_semaphore, #tpu.memory_space<semaphore_mem>>)
      %dma_wait3A = arith.constant 0 : i32
      %dma_wait3A_10 = tpu.memref_slice %arg8[%mul3A_2, %dma_wait3A] : memref<10112x128xf32, #tpu.memory_space<vmem_shared>> -> memref<632x128xf32, #tpu.memory_space<vmem_shared>>
      tpu.wait_dma2 semaphore(%run_scoped3A : memref<!tpu.dma_semaphore, #tpu.memory_space<semaphore_mem>>) src(%arg3 : memref<632x128xf32, #tpu.memory_space<hbm>>) dst(%dma_wait3A_10 : memref<632x128xf32, #tpu.memory_space<vmem_shared>>)
      tpu.yield
    }) : () -> ()
    "tpu.region"() ({
      %run_scoped3A = tpu.sem_alloc : memref<!tpu.dma_semaphore, #tpu.memory_space<semaphore_mem>>
      tpu.enqueue_dma source(%arg4 : memref<128x128xf32, #tpu.memory_space<hbm>>) target(%arg7 : memref<128x128xf32, #tpu.memory_space<vmem>>) target_semaphore(%run_scoped3A : memref<!tpu.dma_semaphore, #tpu.memory_space<semaphore_mem>>)
      tpu.wait_dma2 semaphore(%run_scoped3A : memref<!tpu.dma_semaphore, #tpu.memory_space<semaphore_mem>>) src(%arg4 : memref<128x128xf32, #tpu.memory_space<hbm>>) dst(%arg7 : memref<128x128xf32, #tpu.memory_space<vmem>>)
      tpu.yield
    }) : () -> ()
    "tpu.region"() ({
      %run_scoped3A = tpu.sem_alloc : memref<!tpu.dma_semaphore, #tpu.memory_space<semaphore_mem>>
      %dma_start3A = arith.constant 0 : i32
      %dma_start3A_9 = arith.constant 0 : i32
      %dma_start3A_10 = tpu.memref_slice %arg2[%add3A, %dma_start3A, %dma_start3A_9] : memref<32x79x128xi32, #tpu.memory_space<hbm>> -> memref<1x79x128xi32, #tpu.memory_space<hbm>>
      %dma_start3A_11 = tpu.memref_squeeze %dma_start3A_10 : memref<1x79x128xi32, #tpu.memory_space<hbm>> -> memref<79x128xi32, #tpu.memory_space<hbm>>
      %dma_start3A_12 = arith.constant 0 : i32
      %dma_start3A_13 = arith.constant 0 : i32
      %dma_start3A_14 = tpu.memref_slice %arg2[%add3A, %dma_start3A_12, %dma_start3A_13] : memref<32x79x128xi32, #tpu.memory_space<hbm>> -> memref<1x79x128xi32, #tpu.memory_space<hbm>>
      %dma_start3A_15 = tpu.memref_squeeze %dma_start3A_14 : memref<1x79x128xi32, #tpu.memory_space<hbm>> -> memref<79x128xi32, #tpu.memory_space<hbm>>
      tpu.enqueue_dma source(%dma_start3A_15 : memref<79x128xi32, #tpu.memory_space<hbm>>) target(%arg6 : memref<79x128xi32, #tpu.memory_space<vmem>>) target_semaphore(%run_scoped3A : memref<!tpu.dma_semaphore, #tpu.memory_space<semaphore_mem>>)
      %dma_wait3A = arith.constant 0 : i32
      %dma_wait3A_16 = arith.constant 0 : i32
      %dma_wait3A_17 = tpu.memref_slice %arg2[%add3A, %dma_wait3A, %dma_wait3A_16] : memref<32x79x128xi32, #tpu.memory_space<hbm>> -> memref<1x79x128xi32, #tpu.memory_space<hbm>>
      %dma_wait3A_18 = tpu.memref_squeeze %dma_wait3A_17 : memref<1x79x128xi32, #tpu.memory_space<hbm>> -> memref<79x128xi32, #tpu.memory_space<hbm>>
      %dma_wait3A_19 = arith.constant 0 : i32
      %dma_wait3A_20 = arith.constant 0 : i32
      %dma_wait3A_21 = tpu.memref_slice %arg2[%add3A, %dma_wait3A_19, %dma_wait3A_20] : memref<32x79x128xi32, #tpu.memory_space<hbm>> -> memref<1x79x128xi32, #tpu.memory_space<hbm>>
      %dma_wait3A_22 = tpu.memref_squeeze %dma_wait3A_21 : memref<1x79x128xi32, #tpu.memory_space<hbm>> -> memref<79x128xi32, #tpu.memory_space<hbm>>
      tpu.wait_dma2 semaphore(%run_scoped3A : memref<!tpu.dma_semaphore, #tpu.memory_space<semaphore_mem>>) src(%dma_wait3A_22 : memref<79x128xi32, #tpu.memory_space<hbm>>) dst(%arg6 : memref<79x128xi32, #tpu.memory_space<vmem>>)
      tpu.yield
    }) : () -> ()
    %barrier3A = arith.constant 0 : index
    tpu.barrier barrier_id(%barrier3A)
    %scan3A = arith.constant 0 : i32
    %scan3A_3 = arith.constant 0 : i32
    %scan3A_4 = arith.constant 79 : i32
    %scan3A_5 = arith.addi %scan3A_3, %scan3A_4 : i32
    %scan3A_6 = arith.constant 1 : i32
    scf.for %scan3A_9 = %scan3A_3 to %scan3A_5 step %scan3A_6  : i32 {
      "tpu.region"() ({
        %run_scoped3A = tpu.sem_alloc : memref<!tpu.dma_semaphore, #tpu.memory_space<semaphore_mem>>
        %dma_start3A = arith.constant 0 : i32
        %dma_start3A_10 = tpu.memref_slice %arg6[%scan3A_9, %dma_start3A] : memref<79x128xi32, #tpu.memory_space<vmem>> -> memref<1x128xi32, #tpu.memory_space<vmem>>
        %dma_start3A_11 = tpu.memref_squeeze %dma_start3A_10 : memref<1x128xi32, #tpu.memory_space<vmem>> -> memref<128xi32, #tpu.memory_space<vmem>>
        %dma_start3A_12 = arith.constant 0 : i32
        %dma_start3A_13 = arith.constant 0 : i32
        %dma_start3A_14 = tpu.memref_slice %arg8[%dma_start3A_12, %dma_start3A_13] : memref<10112x128xf32, #tpu.memory_space<vmem_shared>> -> memref<10112x128xf32, #tpu.memory_space<vmem_shared>>
        tpu.enqueue_indirect_dma source(%arg7 : memref<128x128xf32, #tpu.memory_space<vmem>>) target(%dma_start3A_14 : memref<10112x128xf32, #tpu.memory_space<vmem_shared>>) offsets(%dma_start3A_11 : memref<128xi32, #tpu.memory_space<vmem>>) semaphore(%run_scoped3A : memref<!tpu.dma_semaphore, #tpu.memory_space<semaphore_mem>>) {add = true}
        %dma_wait3A = arith.constant 0 : i32
        %dma_wait3A_15 = tpu.memref_slice %arg6[%scan3A_9, %dma_wait3A] : memref<79x128xi32, #tpu.memory_space<vmem>> -> memref<1x128xi32, #tpu.memory_space<vmem>>
        %dma_wait3A_16 = tpu.memref_squeeze %dma_wait3A_15 : memref<1x128xi32, #tpu.memory_space<vmem>> -> memref<128xi32, #tpu.memory_space<vmem>>
        %dma_wait3A_17 = arith.constant 0 : i32
        %dma_wait3A_18 = arith.constant 0 : i32
        %dma_wait3A_19 = tpu.memref_slice %arg8[%dma_wait3A_17, %dma_wait3A_18] : memref<10112x128xf32, #tpu.memory_space<vmem_shared>> -> memref<10112x128xf32, #tpu.memory_space<vmem_shared>>
        tpu.wait_indirect_dma semaphore(%run_scoped3A : memref<!tpu.dma_semaphore, #tpu.memory_space<semaphore_mem>>) src(%arg7 : memref<128x128xf32, #tpu.memory_space<vmem>>) dst(%dma_wait3A_19 : memref<10112x128xf32, #tpu.memory_space<vmem_shared>>)
        tpu.yield
      }) : () -> ()
    }
    %scan3A_7 = arith.constant 79 : i32
    %barrier3A_8 = arith.constant 0 : index
    tpu.barrier barrier_id(%barrier3A_8)
    "tpu.region"() ({
      %run_scoped3A = tpu.sem_alloc : memref<!tpu.dma_semaphore, #tpu.memory_space<semaphore_mem>>
      %dma_start3A = arith.constant 0 : i32
      %dma_start3A_9 = tpu.memref_slice %arg5[%arg0, %mul3A_2, %dma_start3A] : memref<2x10112x128xf32, #tpu.memory_space<hbm>> -> memref<1x632x128xf32, #tpu.memory_space<hbm>>
      %dma_start3A_10 = tpu.memref_squeeze %dma_start3A_9 : memref<1x632x128xf32, #tpu.memory_space<hbm>> -> memref<632x128xf32, #tpu.memory_space<hbm>>
      %dma_start3A_11 = arith.constant 0 : i32
      %dma_start3A_12 = tpu.memref_slice %arg8[%mul3A_2, %dma_start3A_11] : memref<10112x128xf32, #tpu.memory_space<vmem_shared>> -> memref<632x128xf32, #tpu.memory_space<vmem_shared>>
      tpu.enqueue_dma source(%dma_start3A_12 : memref<632x128xf32, #tpu.memory_space<vmem_shared>>) target(%dma_start3A_10 : memref<632x128xf32, #tpu.memory_space<hbm>>) target_semaphore(%run_scoped3A : memref<!tpu.dma_semaphore, #tpu.memory_space<semaphore_mem>>)
      %dma_wait3A = arith.constant 0 : i32
      %dma_wait3A_13 = tpu.memref_slice %arg5[%arg0, %mul3A_2, %dma_wait3A] : memref<2x10112x128xf32, #tpu.memory_space<hbm>> -> memref<1x632x128xf32, #tpu.memory_space<hbm>>
      %dma_wait3A_14 = tpu.memref_squeeze %dma_wait3A_13 : memref<1x632x128xf32, #tpu.memory_space<hbm>> -> memref<632x128xf32, #tpu.memory_space<hbm>>
      %dma_wait3A_15 = arith.constant 0 : i32
      %dma_wait3A_16 = tpu.memref_slice %arg8[%mul3A_2, %dma_wait3A_15] : memref<10112x128xf32, #tpu.memory_space<vmem_shared>> -> memref<632x128xf32, #tpu.memory_space<vmem_shared>>
      tpu.wait_dma2 semaphore(%run_scoped3A : memref<!tpu.dma_semaphore, #tpu.memory_space<semaphore_mem>>) src(%dma_wait3A_16 : memref<632x128xf32, #tpu.memory_space<vmem_shared>>) dst(%dma_wait3A_14 : memref<632x128xf32, #tpu.memory_space<hbm>>)
      tpu.yield
    }) : () -> ()
    return
  }
}

module attributes {stable_mosaic.version = 14 : i64} {
  func.func @_tc_body(%arg0: i32, %arg1: memref<2x1000x128xf32, #tpu.memory_space<vmem>>, %arg2: memref<2x1000x128xf32, #tpu.memory_space<vmem>>, %arg3: memref<1000x128xf32, #tpu.memory_space<vmem>>, %arg4: memref<128x128xf32, #tpu.memory_space<vmem>>, %arg5: memref<128x128xf32, #tpu.memory_space<vmem>>, %arg6: memref<1x128xf32, #tpu.memory_space<vmem>>, %arg7: memref<1000x128xf32, #tpu.memory_space<vmem>>) attributes {dimension_semantics = [#tpu.dimension_semantics<arbitrary>], iteration_bounds = array<i64: 10>, scalar_prefetch = 0 : i64, scratch_operands = 0 : i64, tpu.core_type = #tpu.core_type<tc>, window_params = [{transform_indices = @transform_0, window_bounds = array<i64: 2, 1000, 128>}, {transform_indices = @transform_1, window_bounds = array<i64: 2, 1000, 128>}, {transform_indices = @transform_2, window_bounds = array<i64: 1000, 128>}, {pipeline_mode = #tpu.pipeline_mode<synchronous>, transform_indices = @transform_3, window_bounds = array<i64: 128, 128>}, {pipeline_mode = #tpu.pipeline_mode<synchronous>, transform_indices = @transform_4, window_bounds = array<i64: 128, 128>}, {pipeline_mode = #tpu.pipeline_mode<synchronous>, transform_indices = @transform_5, window_bounds = array<i64: 1, 128>}, {transform_indices = @transform_6, window_bounds = array<i64: 1000, 128>}]} {
    %get3A = arith.constant 0 : index
    %get3A_0 = arith.constant 0 : index
    %get3A_1 = arith.constant 0 : index
    %get3A_2 = vector.load %arg1[%get3A, %get3A_0, %get3A_1] : memref<2x1000x128xf32, #tpu.memory_space<vmem>>, vector<1x1000x128xf32>
    %get3A_3 = vector.shape_cast %get3A_2 : vector<1x1000x128xf32> to vector<1000x128xf32>
    %get3A_4 = arith.constant 1 : index
    %get3A_5 = arith.constant 0 : index
    %get3A_6 = arith.constant 0 : index
    %get3A_7 = vector.load %arg1[%get3A_4, %get3A_5, %get3A_6] : memref<2x1000x128xf32, #tpu.memory_space<vmem>>, vector<1x1000x128xf32>
    %get3A_8 = vector.shape_cast %get3A_7 : vector<1x1000x128xf32> to vector<1000x128xf32>
    %add3A = arith.addf %get3A_3, %get3A_8 : vector<1000x128xf32>
    %get3A_9 = arith.constant 0 : index
    %get3A_10 = arith.constant 0 : index
    %get3A_11 = arith.constant 0 : index
    %get3A_12 = vector.load %arg2[%get3A_9, %get3A_10, %get3A_11] : memref<2x1000x128xf32, #tpu.memory_space<vmem>>, vector<1x1000x1xf32>
    %get3A_13 = vector.shape_cast %get3A_12 : vector<1x1000x1xf32> to vector<1000x1xf32>
    %get3A_14 = arith.constant 1 : index
    %get3A_15 = arith.constant 0 : index
    %get3A_16 = arith.constant 0 : index
    %get3A_17 = vector.load %arg2[%get3A_14, %get3A_15, %get3A_16] : memref<2x1000x128xf32, #tpu.memory_space<vmem>>, vector<1x1000x1xf32>
    %get3A_18 = vector.shape_cast %get3A_17 : vector<1x1000x1xf32> to vector<1000x1xf32>
    %add3A_19 = arith.addf %get3A_13, %get3A_18 : vector<1000x1xf32>
    %max3A = arith.constant 1.000000e+00 : f32
    %max3A_20 = vector.broadcast %max3A : f32 to vector<1000x1xf32>
    %max3A_21 = arith.maximumf %add3A_19, %max3A_20 : vector<1000x1xf32>
    %div3A = vector.broadcast %max3A_21 : vector<1000x1xf32> to vector<1000x128xf32>
    %div3A_22 = arith.divf %add3A, %div3A : vector<1000x128xf32>
    %get3A_23 = arith.constant 0 : index
    %get3A_24 = arith.constant 0 : index
    %get3A_25 = vector.load %arg4[%get3A_23, %get3A_24] : memref<128x128xf32, #tpu.memory_space<vmem>>, vector<128x128xf32>
    %dot_general3A = arith.constant dense<0.000000e+00> : vector<1000x128xf32>
    %dot_general3A_26 = tpu.matmul %div3A_22, %get3A_25, %dot_general3A {dimension_numbers = #tpu.dot_dimension_numbers<[1], [0], [0], [1], [0, 0, 1, 1], [], []>, transpose_lhs_hint = false} : vector<1000x128xf32>, vector<128x128xf32>, vector<1000x128xf32> -> vector<1000x128xf32>
    %get3A_27 = arith.constant 0 : index
    %get3A_28 = arith.constant 0 : index
    %get3A_29 = vector.load %arg3[%get3A_27, %get3A_28] : memref<1000x128xf32, #tpu.memory_space<vmem>>, vector<1000x128xf32>
    %get3A_30 = arith.constant 0 : index
    %get3A_31 = arith.constant 0 : index
    %get3A_32 = vector.load %arg5[%get3A_30, %get3A_31] : memref<128x128xf32, #tpu.memory_space<vmem>>, vector<128x128xf32>
    %dot_general3A_33 = arith.constant dense<0.000000e+00> : vector<1000x128xf32>
    %dot_general3A_34 = tpu.matmul %get3A_29, %get3A_32, %dot_general3A_33 {dimension_numbers = #tpu.dot_dimension_numbers<[1], [0], [0], [1], [0, 0, 1, 1], [], []>, transpose_lhs_hint = false} : vector<1000x128xf32>, vector<128x128xf32>, vector<1000x128xf32> -> vector<1000x128xf32>
    %add3A_35 = arith.addf %dot_general3A_26, %dot_general3A_34 : vector<1000x128xf32>
    %get3A_36 = arith.constant 0 : index
    %get3A_37 = arith.constant 0 : index
    %get3A_38 = vector.load %arg6[%get3A_36, %get3A_37] : memref<1x128xf32, #tpu.memory_space<vmem>>, vector<1x128xf32>
    %add3A_39 = vector.broadcast %get3A_38 : vector<1x128xf32> to vector<1000x128xf32>
    %add3A_40 = arith.addf %add3A_35, %add3A_39 : vector<1000x128xf32>
    %tanh3A = math.tanh %add3A_40 : vector<1000x128xf32>
    %swap3A = arith.constant 0 : index
    %swap3A_41 = arith.constant 0 : index
    %swap3A_42 = vector.load %arg7[%swap3A, %swap3A_41] : memref<1000x128xf32, #tpu.memory_space<vmem>>, vector<1000x128xf32>
    tpu.vector_store %arg7[%swap3A, %swap3A_41], %tanh3A {strides = array<i32>} : memref<1000x128xf32, #tpu.memory_space<vmem>>, vector<1000x128xf32>,
    return
  }
  func.func @transform_0(%arg0: i32) -> (i32, i32, i32) {
    %c0_i32 = arith.constant 0 : i32
    %c0_i32_0 = arith.constant 0 : i32
    %c0_i32_1 = arith.constant 0 : i32
    return %c0_i32, %arg0, %c0_i32_0 : i32, i32, i32
  }
  func.func @transform_1(%arg0: i32) -> (i32, i32, i32) {
    %c0_i32 = arith.constant 0 : i32
    %c0_i32_0 = arith.constant 0 : i32
    %c0_i32_1 = arith.constant 0 : i32
    return %c0_i32, %arg0, %c0_i32_0 : i32, i32, i32
  }
  func.func @transform_2(%arg0: i32) -> (i32, i32) {
    %c0_i32 = arith.constant 0 : i32
    %c0_i32_0 = arith.constant 0 : i32
    return %arg0, %c0_i32 : i32, i32
  }
  func.func @transform_3(%arg0: i32) -> (i32, i32) {
    %c0_i32 = arith.constant 0 : i32
    %c0_i32_0 = arith.constant 0 : i32
    %c0_i32_1 = arith.constant 0 : i32
    return %c0_i32, %c0_i32_0 : i32, i32
  }
  func.func @transform_4(%arg0: i32) -> (i32, i32) {
    %c0_i32 = arith.constant 0 : i32
    %c0_i32_0 = arith.constant 0 : i32
    %c0_i32_1 = arith.constant 0 : i32
    return %c0_i32, %c0_i32_0 : i32, i32
  }
  func.func @transform_5(%arg0: i32) -> (i32, i32) {
    %c0_i32 = arith.constant 0 : i32
    %c0_i32_0 = arith.constant 0 : i32
    %c0_i32_1 = arith.constant 0 : i32
    return %c0_i32, %c0_i32_0 : i32, i32
  }
  func.func @transform_6(%arg0: i32) -> (i32, i32) {
    %c0_i32 = arith.constant 0 : i32
    %c0_i32_0 = arith.constant 0 : i32
    return %arg0, %c0_i32 : i32, i32
  }
}

module attributes {stable_mosaic.version = 14 : i64} {
  func.func @_tc_body(%arg0: i32, %arg1: memref<2x1000x128xf32, #tpu.memory_space<vmem>>, %arg2: memref<2x1000x128xf32, #tpu.memory_space<vmem>>, %arg3: memref<1000x128xf32, #tpu.memory_space<vmem>>, %arg4: memref<128x128xf32, #tpu.memory_space<vmem>>, %arg5: memref<128x128xf32, #tpu.memory_space<vmem>>, %arg6: memref<1x128xf32, #tpu.memory_space<vmem>>, %arg7: memref<1000x128xf32, #tpu.memory_space<vmem>>) attributes {dimension_semantics = [#tpu.dimension_semantics<arbitrary>], iteration_bounds = array<i64: 10>, scalar_prefetch = 0 : i64, scratch_operands = 0 : i64, tpu.core_type = #tpu.core_type<tc>, window_params = [{transform_indices = @transform_0, window_bounds = array<i64: 2, 1000, 128>}, {transform_indices = @transform_1, window_bounds = array<i64: 2, 1000, 128>}, {transform_indices = @transform_2, window_bounds = array<i64: 1000, 128>}, {pipeline_mode = #tpu.pipeline_mode<synchronous>, transform_indices = @transform_3, window_bounds = array<i64: 128, 128>}, {pipeline_mode = #tpu.pipeline_mode<synchronous>, transform_indices = @transform_4, window_bounds = array<i64: 128, 128>}, {pipeline_mode = #tpu.pipeline_mode<synchronous>, transform_indices = @transform_5, window_bounds = array<i64: 1, 128>}, {transform_indices = @transform_6, window_bounds = array<i64: 1000, 128>}]} {
    %get3A = arith.constant 0 : index
    %get3A_0 = arith.constant 0 : index
    %get3A_1 = arith.constant 0 : index
    %get3A_2 = vector.load %arg1[%get3A, %get3A_0, %get3A_1] : memref<2x1000x128xf32, #tpu.memory_space<vmem>>, vector<1x1000x128xf32>
    %get3A_3 = vector.shape_cast %get3A_2 : vector<1x1000x128xf32> to vector<1000x128xf32>
    %get3A_4 = arith.constant 1 : index
    %get3A_5 = arith.constant 0 : index
    %get3A_6 = arith.constant 0 : index
    %get3A_7 = vector.load %arg1[%get3A_4, %get3A_5, %get3A_6] : memref<2x1000x128xf32, #tpu.memory_space<vmem>>, vector<1x1000x128xf32>
    %get3A_8 = vector.shape_cast %get3A_7 : vector<1x1000x128xf32> to vector<1000x128xf32>
    %add3A = arith.addf %get3A_3, %get3A_8 : vector<1000x128xf32>
    %get3A_9 = arith.constant 0 : index
    %get3A_10 = arith.constant 0 : index
    %get3A_11 = arith.constant 0 : index
    %get3A_12 = vector.load %arg2[%get3A_9, %get3A_10, %get3A_11] : memref<2x1000x128xf32, #tpu.memory_space<vmem>>, vector<1x1000x1xf32>
    %get3A_13 = vector.shape_cast %get3A_12 : vector<1x1000x1xf32> to vector<1000x1xf32>
    %get3A_14 = arith.constant 1 : index
    %get3A_15 = arith.constant 0 : index
    %get3A_16 = arith.constant 0 : index
    %get3A_17 = vector.load %arg2[%get3A_14, %get3A_15, %get3A_16] : memref<2x1000x128xf32, #tpu.memory_space<vmem>>, vector<1x1000x1xf32>
    %get3A_18 = vector.shape_cast %get3A_17 : vector<1x1000x1xf32> to vector<1000x1xf32>
    %add3A_19 = arith.addf %get3A_13, %get3A_18 : vector<1000x1xf32>
    %max3A = arith.constant 1.000000e+00 : f32
    %max3A_20 = vector.broadcast %max3A : f32 to vector<1000x1xf32>
    %max3A_21 = arith.maximumf %add3A_19, %max3A_20 : vector<1000x1xf32>
    %div3A = vector.broadcast %max3A_21 : vector<1000x1xf32> to vector<1000x128xf32>
    %div3A_22 = arith.divf %add3A, %div3A : vector<1000x128xf32>
    %get3A_23 = arith.constant 0 : index
    %get3A_24 = arith.constant 0 : index
    %get3A_25 = vector.load %arg4[%get3A_23, %get3A_24] : memref<128x128xf32, #tpu.memory_space<vmem>>, vector<128x128xf32>
    %dot_general3A = arith.constant dense<0.000000e+00> : vector<1000x128xf32>
    %dot_general3A_26 = tpu.matmul %div3A_22, %get3A_25, %dot_general3A {dimension_numbers = #tpu.dot_dimension_numbers<[1], [0], [0], [1], [0, 0, 1, 1], [], []>, transpose_lhs_hint = false} : vector<1000x128xf32>, vector<128x128xf32>, vector<1000x128xf32> -> vector<1000x128xf32>
    %get3A_27 = arith.constant 0 : index
    %get3A_28 = arith.constant 0 : index
    %get3A_29 = vector.load %arg3[%get3A_27, %get3A_28] : memref<1000x128xf32, #tpu.memory_space<vmem>>, vector<1000x128xf32>
    %get3A_30 = arith.constant 0 : index
    %get3A_31 = arith.constant 0 : index
    %get3A_32 = vector.load %arg5[%get3A_30, %get3A_31] : memref<128x128xf32, #tpu.memory_space<vmem>>, vector<128x128xf32>
    %dot_general3A_33 = arith.constant dense<0.000000e+00> : vector<1000x128xf32>
    %dot_general3A_34 = tpu.matmul %get3A_29, %get3A_32, %dot_general3A_33 {dimension_numbers = #tpu.dot_dimension_numbers<[1], [0], [0], [1], [0, 0, 1, 1], [], []>, transpose_lhs_hint = false} : vector<1000x128xf32>, vector<128x128xf32>, vector<1000x128xf32> -> vector<1000x128xf32>
    %add3A_35 = arith.addf %dot_general3A_26, %dot_general3A_34 : vector<1000x128xf32>
    %get3A_36 = arith.constant 0 : index
    %get3A_37 = arith.constant 0 : index
    %get3A_38 = vector.load %arg6[%get3A_36, %get3A_37] : memref<1x128xf32, #tpu.memory_space<vmem>>, vector<1x128xf32>
    %add3A_39 = vector.broadcast %get3A_38 : vector<1x128xf32> to vector<1000x128xf32>
    %add3A_40 = arith.addf %add3A_35, %add3A_39 : vector<1000x128xf32>
    %tanh3A = math.tanh %add3A_40 : vector<1000x128xf32>
    %swap3A = arith.constant 0 : index
    %swap3A_41 = arith.constant 0 : index
    %swap3A_42 = vector.load %arg7[%swap3A, %swap3A_41] : memref<1000x128xf32, #tpu.memory_space<vmem>>, vector<1000x128xf32>
    tpu.vector_store %arg7[%swap3A, %swap3A_41], %tanh3A {strides = array<i32>} : memref<1000x128xf32, #tpu.memory_space<vmem>>, vector<1000x128xf32>,
    return
  }
  func.func @transform_0(%arg0: i32) -> (i32, i32, i32) {
    %c0_i32 = arith.constant 0 : i32
    %c0_i32_0 = arith.constant 0 : i32
    %c0_i32_1 = arith.constant 0 : i32
    return %c0_i32, %arg0, %c0_i32_0 : i32, i32, i32
  }
  func.func @transform_1(%arg0: i32) -> (i32, i32, i32) {
    %c0_i32 = arith.constant 0 : i32
    %c0_i32_0 = arith.constant 0 : i32
    %c0_i32_1 = arith.constant 0 : i32
    return %c0_i32, %arg0, %c0_i32_0 : i32, i32, i32
  }
  func.func @transform_2(%arg0: i32) -> (i32, i32) {
    %c0_i32 = arith.constant 0 : i32
    %c0_i32_0 = arith.constant 0 : i32
    return %arg0, %c0_i32 : i32, i32
  }
  func.func @transform_3(%arg0: i32) -> (i32, i32) {
    %c0_i32 = arith.constant 0 : i32
    %c0_i32_0 = arith.constant 0 : i32
    %c0_i32_1 = arith.constant 0 : i32
    return %c0_i32, %c0_i32_0 : i32, i32
  }
  func.func @transform_4(%arg0: i32) -> (i32, i32) {
    %c0_i32 = arith.constant 0 : i32
    %c0_i32_0 = arith.constant 0 : i32
    %c0_i32_1 = arith.constant 0 : i32
    return %c0_i32, %c0_i32_0 : i32, i32
  }
  func.func @transform_5(%arg0: i32) -> (i32, i32) {
    %c0_i32 = arith.constant 0 : i32
    %c0_i32_0 = arith.constant 0 : i32
    %c0_i32_1 = arith.constant 0 : i32
    return %c0_i32, %c0_i32_0 : i32, i32
  }
  func.func @transform_6(%arg0: i32) -> (i32, i32) {
    %c0_i32 = arith.constant 0 : i32
    %c0_i32_0 = arith.constant 0 : i32
    return %arg0, %c0_i32 : i32, i32
  }
}

</mosaic_0001>

<sc_bundles>
// kernel: kernel.12.cloned.1.call-start
scs
__scs_entry_jumppad:
0x0: {  	(pc) =	sbr.rel $0x88, $3  }
0x1: {  	(tag) =	ssettag $0x0;
	lr =	simm.s32 $0x1  }
0x2: {  	[smem:$0x3F96] =	sst lr;
	_ =	strace $0xD0000000  }
0x3: {  	_ = 	snop  }
0x4: {  	_ = 	snop  }
0x5: {  	_ = 	snop  }
0x6: {  	_ = 	snop  }
0x7: {  	_ = 	snop  }
__scs_overlays_trampoline_lowered:
0x8: {  	[smem:$0x3FA5] =	sst s0  }
0x9: {  	[smem:$0x3FA6] =	sst s1  }
0xa: {  	[smem:$0x3FA7] =	sst s2  }
0xb: {  	[smem:$0x3FA8] =	sst s3  }
0xc: {  	[smem:$0x3FA9] =	sst s4  }
0xd: {  	[smem:$0x3FAA] =	sst s5  }
0xe: {  	[smem:$0x3FAB] =	sst s6  }
0xf: {  	[smem:$0x3FAC] =	sst s7  }
0x10: {  	[smem:$0x3FAD] =	sst s8  }
0x11: {  	[smem:$0x3FAE] =	sst s9;
	s0 =	simm.s32 @!p0 $0x0  }
0x12: {  	s1 =	sld [smem:$0x3F94];
	s0 =	simm.s32 @p0 $0x1  }
0x13: {  	[smem:$0x3FAF] =	sst s0;
	s0 =	simm.s32 @!p1 $0x0  }
0x14: {  	s2 =	sld [smem:$0x3F93];
	s0 =	simm.s32 @p1 $0x1  }
0x15: {  	[smem:$0x3FB0] =	sst s0;
	s0 =	simm.s32 @!p2 $0x0  }
0x16: {  	s3 =	sld [smem:$0x3FDB];
	s0 =	simm.s32 @p2 $0x1  }
0x17: {  	s4 =	simm.s32 $0x1BF5;
	[smem:$0x3FB2] =	sst s0  }
0x18: {  	s0 =	sld [smem:$0x3F95];
	_ =	swait.ge [sflag:s4], $0x0  }
0x19: {  	s7 =	sld [smem:$0x3F96]  }
0x1a: {  	s8 =	sadd.s32 $0xFFFFE003, lr  }
0x1b: {  	s9 =	sadd.s32 $0xFFFFFEF7, lr;
	s5 =	simm.s32 $0xFFFFFFFF;
	p2 =	slt.u32 s8, $0xFFFFF086  }
0x1c: {  	p1 =	slt.u32 s9, $0xF7A;
	s5 =	simm.s32 @!p2 $0x0  }
0x1d: {  	s5 =	simm.s32 @p1 $0x1;
	p0 =	seq.s32 s7, s2  }
0x1e: {  	s7 =	smul.u32 @!p0 $0xF7A, s2;
	p2 =	seq.s32 @!p0 s5, $0x0  }
0x1f: {  	s9 =	smul.u32 $0xF7A, s1;
	s8 =	simm.s32 @!p0 $0x1BF5;
	p2 =	por !p2, p0  }
0x20: {  	[sflag:s8] =	ssyncset.s32 @!p0 $0xFFFFF086;
	s6 =	sadd.s32 @!p0 s3, s7;
	s7 =	simm.s32 @!p0 $0x108  }
0x21: {  	s3 =	sadd.s32 s3, s9;
	s6 =	sadd.s32 @!p0 $0x88, s6;
	s7 =	simm.s32 @p2 $0x1082  }
0x22: {  	[simem:s7], [sflag:s8] =	dma.local @!p0 [hbm:s6], $0xF7A  }
0x23: {  	s9 =	sor.u32 $0xD0000000, s2;
	s6 =	simm.s32 $0x108;
	_ =	swait.ge @!p0 [sflag:s8], $0x0  }
0x24: {  	s3 =	sadd.s32 $0x88, s3;
	s6 =	simm.s32 @!p1 $0x1082;
	[sflag:s4] =	ssyncset.s32 $0xFFFFF086  }
0x25: {  	[simem:s6], [sflag:s4] =	dma.local [hbm:s3], $0xF7A  }
0x26: {  	[smem:$0x3F96] =	sst s1;
	(tag) =	ssettag s2;
	_ =	strace s9  }
0x27: {  	s1 =	sld [smem:$0x3FA6]  }
0x28: {  	s2 =	sld [smem:$0x3FA7]  }
0x29: {  	s4 =	sld [smem:$0x3FA9]  }
0x2a: {  	p0 =	seq.s32 s5, $0x0;
	s5 =	sld [smem:$0x3FAA]  }
0x2b: {  	s6 =	sld [smem:$0x3FAB]  }
0x2c: {  	s7 =	sld [smem:$0x3FAC]  }
0x2d: {  	s3 =	simm.s32 $0x108;
	s8 =	sld [smem:$0x3FAD]  }
0x2e: {  	s3 =	simm.s32 @!p0 $0x1082;
	s9 =	sld [smem:$0x3FAE]  }
0x2f: {  	lr =	sadd.s32 s0, s3;
	s0 =	sld [smem:$0x3FA5]  }
0x30: {  	s3 =	sld [smem:$0x3FA8]  }
0x31: {  	[smem:$0x3FB1] =	sst s10  }
0x32: {  	s10 =	sld [smem:$0x3FAF];
	_ =	sdelay $0x3  }
0x33: {  	p0 =	seq.s32 s10, $0x1;
	s10 =	sld [smem:$0x3FB1];
	_ =	sdelay $0x3  }
0x34: {  	[smem:$0x3FB1] =	sst s10  }
0x35: {  	s10 =	sld [smem:$0x3FB0];
	_ =	sdelay $0x3  }
0x36: {  	p1 =	seq.s32 s10, $0x1;
	s10 =	sld [smem:$0x3FB1];
	_ =	sdelay $0x3  }
0x37: {  	[smem:$0x3FB1] =	sst s10  }
0x38: {  	s10 =	sld [smem:$0x3FB2]  }
0x39: {  	_ = 	snop;
	(pc) =	sbr.ind lr, $3  }
0x3a: {  	_ = 	snop  }
0x3b: {  	_ = 	snop  }
0x3c: {  	p2 =	seq.s32 s10, $0x1;
	s10 =	sld [smem:$0x3FB1]  }
0x3d: {  	_ =	shalt  }
0x3e: {  	_ =	shalt  }
0x3f: {  	_ =	shalt  }
0x40: {  	_ =	shalt  }
0x41: {  	_ =	shalt  }
0x42: {  	_ =	shalt  }
0x43: {  	_ =	shalt  }
0x44: {  	_ =	shalt  }
0x45: {  	_ =	shalt  }
0x46: {  	_ =	shalt  }
0x47: {  	_ =	shalt  }
0x48: {  	_ =	shalt  }
0x49: {  	_ =	shalt  }
0x4a: {  	_ =	shalt  }
0x4b: {  	_ =	shalt  }
0x4c: {  	_ =	shalt  }
0x4d: {  	_ =	shalt  }
0x4e: {  	_ =	shalt  }
0x4f: {  	_ =	shalt  }
0x50: {  	_ =	shalt  }
0x51: {  	_ =	shalt  }
0x52: {  	_ =	shalt  }
0x53: {  	_ =	shalt  }
0x54: {  	_ =	shalt  }
0x55: {  	_ =	shalt  }
0x56: {  	_ =	shalt  }
0x57: {  	_ =	shalt  }
0x58: {  	_ =	shalt  }
0x59: {  	_ =	shalt  }
0x5a: {  	_ =	shalt  }
0x5b: {  	_ =	shalt  }
0x5c: {  	_ =	shalt  }
0x5d: {  	_ =	shalt  }
0x5e: {  	_ =	shalt  }
0x5f: {  	_ =	shalt  }
0x60: {  	_ =	shalt  }
0x61: {  	_ =	shalt  }
0x62: {  	_ =	shalt  }
0x63: {  	_ =	shalt  }
0x64: {  	_ =	shalt  }
0x65: {  	_ =	shalt  }
0x66: {  	_ =	shalt  }
0x67: {  	_ =	shalt  }
0x68: {  	_ =	shalt  }
0x69: {  	_ =	shalt  }
0x6a: {  	_ =	shalt  }
0x6b: {  	_ =	shalt  }
0x6c: {  	_ =	shalt  }
0x6d: {  	_ =	shalt  }
0x6e: {  	_ =	shalt  }
0x6f: {  	_ =	shalt  }
0x70: {  	_ =	shalt  }
0x71: {  	_ =	shalt  }
0x72: {  	_ =	shalt  }
0x73: {  	_ =	shalt  }
0x74: {  	_ =	shalt  }
0x75: {  	_ =	shalt  }
0x76: {  	_ =	shalt  }
0x77: {  	_ =	shalt  }
0x78: {  	_ =	shalt  }
0x79: {  	_ =	shalt  }
0x7a: {  	_ =	shalt  }
0x7b: {  	_ =	shalt  }
0x7c: {  	_ =	shalt  }
0x7d: {  	_ =	shalt  }
0x7e: {  	_ =	shalt  }
0x7f: {  	_ =	shalt  }
0x80: {  	_ =	shalt  }
0x81: {  	_ =	shalt  }
0x82: {  	_ =	shalt  }
0x83: {  	_ =	shalt  }
0x84: {  	_ =	shalt  }
0x85: {  	_ =	shalt  }
0x86: {  	_ =	shalt  }
0x87: {  	_ =	shalt  }
.Lfunc_end0:
.L_simem_size_0:
called_computation.1_lowered:
.L_overlay_start_0:
0x88: {  	s2 =	sld [smem:$0x3FD9]  }
0x89: {  	s3 =	sld [smem:$0x3FFE];
	_ =	sdelay $0x1  }
0x8a: {  	s1 =	srdreg.scid  }
0x8b: {  	s0 =	sand.u32 $0x1, s1  }
0x8c: {  	s17 =	sshll.u32 s0, $0xA;
	s2 =	sadd.s32 s3, s2  }
0x8d: {  	s2 =	sadd.s32 s2, s17  }
0x8e: {  	[smem:$0x3FBD] =	sst s2  }
0x8f: {  	_ = 	snop  }
0x90: {  	s2 =	sld [smem:$0x3FC9];
	(tm) =	ssettm $0x1  }
0x91: {  	s18 =	sld [smem:$0x3FFB];
	_ =	sdelay $0x3  }
0x92: {  	_ =	strace s18  }
0x93: {  	s3 =	sld [smem:$0x3FFC];
	_ =	sdelay $0x3  }
0x94: {  	_ =	strace s3  }
0x95: {  	s3 =	sld [smem:$0x3FFD];
	_ =	sdelay $0x3  }
0x96: {  	_ =	strace s3  }
0x97: {  	_ =	strace $0x8FFFFFFF  }
0x98: {  	s19 =	sld [smem:$0x3FDB];
	_ =	sdelay $0x1  }
0x99: {  	s4 =	simm.s32 $_scs_section_size  }
0x9a: {  	s5 =	simm.s32 $_size__tile_overlayer_lowered;
	s6 =	simm.s32 $_tile_overlayer_lowered  }
0x9b: {  	s22 =	simm.s32 $0x1BFF;
	s21 =	sshll.u32 s6, $0x1;
	s3 =	sadd.s32 s4, s19  }
0x9c: {  	s7 =	simm.s32 $0x0;
	s20 =	sshll.u32 s5, $0x1;
	s5 =	sadd.s32 s21, s3  }
0x9d: {  	[timem:s7], [sflag:s22] =	dma.local [hbm:s5], s20  }
0x9e: {  	_ =	swait.ge [sflag:s22], s20  }
0x9f: {  	s4 =	ssub.s32 $0x0, s20;
	[sflag:s22] =	ssyncset.done $0x0  }
0xa0: {  	[sflag:s22] =	ssyncadd.s32 s4;
	_ =	sdelay $0x1  }
0xa1: {  	s23 =	simm.s32 $0x1B8B  }
0xa2: {  	_ =	swait.ge [sflag:s23], $0x1  }
0xa3: {  	[sflag:s23] =	ssyncset.done $0x0  }
0xa4: {  	s25 =	simm.s32 $0x1B8E;
	s24 =	sld [smem:$0x3FFE];
	[sflag:s23] =	ssyncadd.s32 $0xFFFFFFFF  }
0xa5: {  	s26 =	simm.s32 $execute0_lowered;
	[smem:$0x3FD2] =	sst s25  }
0xa6: {  	s5 =	sshll.u32 s26, $0x1;
	_ =	strace $0x80000046;
	[dreg:$0x1] =	wrdreg $0xFFFFFFFF  }
0xa7: {  	s28 =	simm.s32 $_size_execute0_lowered;
	s3 =	sadd.s32 s3, s5;
	[dreg:$0x0] =	wrdreg $0x0  }
0xa8: {  	s5 =	sshll.u32 s28, $0x1;
	[dreg:$0x2] =	wrdreg s3  }
0xa9: {  	[dreg:$0x3] =	wrdreg s5  }
0xaa: {  	[dreg:$0x4] =	wrdreg $0xC0  }
0xab: {  	_ =	task [dreg:s7], $0x5FFFF  }
0xac: {  	[dreg:$0x1] =	wrdreg $0xFFFFFFFF  }
0xad: {  	[dreg:$0x0] =	wrdreg $0x60  }
0xae: {  	[dreg:$0x2] =	wrdreg s2  }
0xaf: {  	[dreg:$0x3] =	wrdreg s24  }
0xb0: {  	[dreg:$0x4] =	wrdreg $0x90000  }
0xb1: {  	[dreg:$0x5] =	wrdreg $0xA  }
0xb2: {  	_ =	task.clear_ibuf [dreg:s7], $0x6FFFF;
	_ =	strace $0x90000046  }
0xb3: {  	s29 =	simm.s32 $0xA;
	_ =	strace $0x80000048  }
0xb4: {  	_ =	swait.ge [sflag:s29], $0x1  }
0xb5: {  	[sflag:s29] =	ssyncadd.s32 $0xFFFFFFFF  }
0xb6: {  	_ =	strace $0x90000048  }
0xb7: {  	_ =	sfence  }
0xb8: {  	s30 =	sld [smem:$0x0];
	_ =	sdelay $0x2  }
0xb9: {  	s31 =	sshll.u32 s1, $0xD;
	s1 =	sshrl.u32 s1, $0x2  }
0xba: {  	s3 =	sand.u32 $0x4000, s31;
	s1 =	sadd.s32 s1, s30  }
0xbb: {  	s0 =	sor.u32 s3, s0;
	s1 =	sshll.u32 s1, $0x11  }
0xbc: {  	s0 =	sor.u32 s1, s0  }
0xbd: {  	s0 =	sadd.s32 $0x8F2B, s0  }
0xbe: {  	[sflag:s0] =	ssyncadd.remote.s32 $0x1  }
0xbf: {  	_ =	sfence.sel $0xFFFF  }
0xc0: {  	[dreg:$0x0] =	wrdreg $0xFFFFFFFF;
	(pc) =	sbr.abs _section_cstart, $3  }
0xc1: {  	[dreg:$0x1] =	wrdreg $0xFFFFFFFF  }
0xc2: {  	_ =	task.clear_ibuf [dreg:s7], $0x2FFFF;
	_ =	strace $0x9FFFFFFF  }
0xc3: {  	(tm) =	ssettm $0x7FFFFFFF  }
tec
execute0_lowered:
.L_overlay_start_1:
0x0: {  	(tag) =	ssettag $0x1  }
0x1: {  	s1 =	rddreg [dreg:$0x0]  }
0x2: {  	s2 =	srdreg.scid;
	s7 =	rddreg [dreg:$0x1]  }
0x3: {  	s0 =	stileid.u32;
	s3 =	rddreg [dreg:$0x2];
	s4 =	simm.s32 $0x0  }
0x4: {  	s14 =	simm.s32 $0x80;
	s15 =	simm.s32 $0x5000;
	s16 =	simm.s32 $0x1  }
0x5: {  	s17 =	simm.s32 $0x0;
	s6 =	sand.u32 $0x1, s2;
	s9 =	smul.u32 $0x13C00, s0  }
0x6: {  	s26 =	sshll.u32 s0, $0x1;
	[smem:$0x7FF] =	sst s4;
	s28 =	smul.u32 $0x4F000, s0  }
0x7: {  	s31 =	sshll.u32 s0, $0x6;
	s2 =	sor.u32 s6, s26;
	s8 =	smul.u32 $0x13C000, s6  }
0x8: {  	s6 =	ssub.s32 $0x2, s6;
	s5 =	smul.u32 $0x500, s2;
	s2 =	rddreg [dreg:$0x3]  }
0x9: {  	_ =	strace $0x80000047;
	s29 =	sshrl.u32 s6, $0x1;
	s30 =	sshrl.u32 s28, $0x2  }
0xa: {  	s8 =	sadd.s32 s9, s8;
	s12 =	ssub.s32 s6, s29;
	s13 =	sadd.s32 s30, s3  }
0xb: {  	s6 =	sor.u32 $0x1C02, s31;
	s10 =	sadd.s32 s5, s7;
	s8 =	sshrl.u32 s8, $0x3  }
0xc: {  	s5 =	sadd.s32 $0x17000, s7;
	s11 =	sadd.s32 s8, s7;
	s7 =	sadd.s32 $0xD000, s10  }
0xd: {  	s8 =	sadd.s32 $0x3000, s10;
	s10 =	smax.u32 s12, $0x1;
	s12 =	simm.s32 $0x2  }
0xe: {  	s9 =	sadd.s32 $0x19800, s11;
	s11 =	sshrl.u32 s13, $0x3;
	s13 =	simm.s32 $0x2800  }
.LBB2_1:
0xf: {  	[spmem:s11], [sflag:s6] =	dma.local [hbm:s5], $0x2780  }
0x10: {  	_ =	swait.ge [sflag:s12], $0x2780  }
0x11: {  	[sflag:s12] =	ssyncset.done $0x0  }
0x12: {  	[sflag:s12] =	ssyncadd.s32 $0xFFFFD880  }
0x13: {  	[tilespmem:s4], [sflag:$0x2] =	stream.linear.gather [hbm4b:s7+s4], $0x2780, $0x38;
	[tilespmem:$0x1CC00] =	vst v63  }
0x14: {  	_ =	swait.ge [sflag:s12], $0x2780  }
0x15: {  	[sflag:s12] =	ssyncset.done $0x0  }
0x16: {  	[sflag:s12] =	ssyncadd.s32 $0xFFFFD880  }
0x17: {  	[tilespmem:s13], [sflag:$0x2] =	stream.linear.gather [hbm4b:s8+s4], $0x2780, $0x38;
	[tilespmem:$0x1CC00] =	vst v63  }
0x18: {  	_ =	swait.ge [sflag:s12], $0x2780  }
0x19: {  	[sflag:s12] =	ssyncset.done $0x0  }
0x1a: {  	[sflag:s12] =	ssyncadd.s32 $0xFFFFD880  }
0x1b: {  	s18 =	simm.s32 $0x0;
	[bflag:$0x0] =	sbarrier.arrive $0xFFFF  }
0x1c: {  	[tilespmem:s15], [sflag:$0x1] =	stream.indirect.gather [hbm4b:s1+s14], $0x80, s18, s14, $0xb8;
	[tilespmem:$0x1CC00] =	vst v63  }
0x1d: {  	_ =	swait.ge [sflag:s16], $0x4000  }
0x1e: {  	[sflag:s16] =	ssyncset.done $0x0  }
0x1f: {  	s31 =	simm.s32 $0x2800;
	[sflag:s16] =	ssyncadd.s32 $0xFFFFC000  }
0x20: {  	[spmem:s3] =	stream.indirect.scatter.add.f32 [tilespmem:s15], [sflag:$0x2], $0x80, s31, s14, $0xb8;
	[tilespmem:$0x1CC00] =	vst v63  }
0x21: {  	_ =	swait.ge [sflag:s12], $0x4000  }
0x22: {  	s19 =	simm.s32 $0x400;
	s18 =	simm.s32 $0x200;
	[sflag:s12] =	ssyncset.done $0x0  }
.LBB2_2:
0x23: {  	s20 =	sshra.s32 s18, $0x2  }
0x24: {  	[sflag:s12] =	ssyncadd.s32 $0xFFFFC000;
	s18 =	smov.u32 s19;
	s21 =	sadd.s32 $0x200, s19  }
0x25: {  	[tilespmem:s15], [sflag:$0x1] =	stream.indirect.gather [hbm4b:s1+s14], $0x80, s20, s14, $0xb8;
	[tilespmem:$0x1CC00] =	vst v63  }
0x26: {  	p0 =	sne.s32 s19, $0x9C00;
	_ =	swait.ge [sflag:s16], $0x4000  }
.Ltmp0:
0x27: {  	[sflag:s16] =	ssyncset.done $0x0;
	(pc) =	sbr.rel @p0 .LBB2_2-.Ltmp0, $4  }
0x28: {  	s19 =	sadd.s32 $0x2800, s20;
	[sflag:s16] =	ssyncadd.s32 $0xFFFFC000  }
0x29: {  	[spmem:s3] =	stream.indirect.scatter.add.f32 [tilespmem:s15], [sflag:$0x2], $0x80, s19, s14, $0xb8;
	[tilespmem:$0x1CC00] =	vst v63  }
0x2a: {  	_ =	swait.ge [sflag:s12], $0x4000  }
0x2b: {  	s19 =	smov.u32 s21;
	[sflag:s12] =	ssyncset.done $0x0  }
0x2c: {  	s18 =	sshra.s32 s18, $0x2;
	[sflag:s12] =	ssyncadd.s32 $0xFFFFC000  }
0x2d: {  	[tilespmem:s15], [sflag:$0x1] =	stream.indirect.gather [hbm4b:s1+s14], $0x80, s18, s14, $0xb8;
	[tilespmem:$0x1CC00] =	vst v63  }
0x2e: {  	_ =	swait.ge [sflag:s16], $0x4000  }
0x2f: {  	[sflag:s16] =	ssyncset.done $0x0  }
0x30: {  	s18 =	sadd.s32 $0x2800, s18;
	[sflag:s16] =	ssyncadd.s32 $0xFFFFC000  }
0x31: {  	[spmem:s3] =	stream.indirect.scatter.add.f32 [tilespmem:s15], [sflag:$0x2], $0x80, s18, s14, $0xb8;
	[tilespmem:$0x1CC00] =	vst v63  }
0x32: {  	_ =	swait.ge [sflag:s12], $0x4000  }
0x33: {  	s17 =	sadd.s32 $0x1, s17;
	[sflag:s12] =	ssyncset.done $0x0  }
0x34: {  	p0 =	sne.s32 s17, s10;
	[sflag:s12] =	ssyncadd.s32 $0xFFFFC000  }
.Ltmp1:
0x35: {  	[bflag:$0x0] =	sbarrier.arrive $0xFFFF;
	(pc) =	sbr.rel @p0 .LBB2_1-.Ltmp1, $4  }
0x36: {  	[hbm:s9], [sflag:s6] =	dma.local [spmem:s11], $0x2780  }
0x37: {  	_ =	swait.ge [sflag:s12], $0x2780  }
0x38: {  	[sflag:s12] =	ssyncset.done $0x0  }
0x39: {  	[sflag:s12] =	ssyncadd.s32 $0xFFFFD880  }
0x3a: {  	_ =	sfence.sel $0x180000  }
0x3b: {  	[bflag:$0x0] =	sbarrier.arrive $0xFFFF  }
0x3c: {  	p0 =	sne.s32 s0, $0x0;
	_ =	strace $0x90000047  }
0x3d: {  	s0 =	sadd.s32 @!p0 $0x100000, s2;
	[bflag:$0x2] =	sbarrier.arrive $0xFFFF  }
0x3e: {  	[sflag:s0] =	ssyncadd.tile.s32 @!p0 $0x1;
	_ =	shalt  }
.Lfunc_end2:
_tile_overlayer_lowered:
.L_overlay_start_2:
0x3f: {  	(tag) =	ssettag $0x2  }
0x40: {  	s0 =	rddreg [dreg:$0x0];
	s2 =	stileid.u32  }
0x41: {  	s1 =	rddreg [dreg:$0x1];
	p0 =	sne.s32 s2, $0x0  }
0x42: {  	s3 =	rddreg [dreg:$0x2];
	[bflag:$0x3] =	sbarrier.arrive $0xFFFF;
	s2 =	simm.s32 @!p0 $0x1C02  }
0x43: {  	[timem:s3], [sflag:s2] =	dma.local @!p0 [hbm:s0], s1  }
0x44: {  	s0 =	simm.s32 @!p0 $0x2  }
0x45: {  	_ =	swait.ge @!p0 [sflag:s0], s1  }
0x46: {  	s1 =	ssub.s32 @!p0 $0x0, s1;
	[sflag:s0] =	ssyncset.done @!p0 $0x0  }
0x47: {  	[sflag:s0] =	ssyncadd.s32 @!p0 s1  }
0x48: {  	[bflag:$0x3] =	sbarrier.arrive $0xFFFF  }
0x49: {  	_ =	shalt  }

// kernel: kernel.15.cloned.1.call-start
scs
__scs_entry_jumppad:
0x0: {  	(pc) =	sbr.rel $0x88, $3  }
0x1: {  	(tag) =	ssettag $0x0;
	lr =	simm.s32 $0x1  }
0x2: {  	[smem:$0x3F96] =	sst lr;
	_ =	strace $0xD0000000  }
0x3: {  	_ = 	snop  }
0x4: {  	_ = 	snop  }
0x5: {  	_ = 	snop  }
0x6: {  	_ = 	snop  }
0x7: {  	_ = 	snop  }
__scs_overlays_trampoline_lowered:
0x8: {  	[smem:$0x3FA5] =	sst s0  }
0x9: {  	[smem:$0x3FA6] =	sst s1  }
0xa: {  	[smem:$0x3FA7] =	sst s2  }
0xb: {  	[smem:$0x3FA8] =	sst s3  }
0xc: {  	[smem:$0x3FA9] =	sst s4  }
0xd: {  	[smem:$0x3FAA] =	sst s5  }
0xe: {  	[smem:$0x3FAB] =	sst s6  }
0xf: {  	[smem:$0x3FAC] =	sst s7  }
0x10: {  	[smem:$0x3FAD] =	sst s8  }
0x11: {  	[smem:$0x3FAE] =	sst s9;
	s0 =	simm.s32 @!p0 $0x0  }
0x12: {  	s1 =	sld [smem:$0x3F94];
	s0 =	simm.s32 @p0 $0x1  }
0x13: {  	[smem:$0x3FAF] =	sst s0;
	s0 =	simm.s32 @!p1 $0x0  }
0x14: {  	s2 =	sld [smem:$0x3F93];
	s0 =	simm.s32 @p1 $0x1  }
0x15: {  	[smem:$0x3FB0] =	sst s0;
	s0 =	simm.s32 @!p2 $0x0  }
0x16: {  	s3 =	sld [smem:$0x3FDB];
	s0 =	simm.s32 @p2 $0x1  }
0x17: {  	s4 =	simm.s32 $0x1BF5;
	[smem:$0x3FB2] =	sst s0  }
0x18: {  	s0 =	sld [smem:$0x3F95];
	_ =	swait.ge [sflag:s4], $0x0  }
0x19: {  	s7 =	sld [smem:$0x3F96]  }
0x1a: {  	s8 =	sadd.s32 $0xFFFFE003, lr  }
0x1b: {  	s9 =	sadd.s32 $0xFFFFFEF7, lr;
	s5 =	simm.s32 $0xFFFFFFFF;
	p2 =	slt.u32 s8, $0xFFFFF086  }
0x1c: {  	p1 =	slt.u32 s9, $0xF7A;
	s5 =	simm.s32 @!p2 $0x0  }
0x1d: {  	s5 =	simm.s32 @p1 $0x1;
	p0 =	seq.s32 s7, s2  }
0x1e: {  	s7 =	smul.u32 @!p0 $0xF7A, s2;
	p2 =	seq.s32 @!p0 s5, $0x0  }
0x1f: {  	s9 =	smul.u32 $0xF7A, s1;
	s8 =	simm.s32 @!p0 $0x1BF5;
	p2 =	por !p2, p0  }
0x20: {  	[sflag:s8] =	ssyncset.s32 @!p0 $0xFFFFF086;
	s6 =	sadd.s32 @!p0 s3, s7;
	s7 =	simm.s32 @!p0 $0x108  }
0x21: {  	s3 =	sadd.s32 s3, s9;
	s6 =	sadd.s32 @!p0 $0x88, s6;
	s7 =	simm.s32 @p2 $0x1082  }
0x22: {  	[simem:s7], [sflag:s8] =	dma.local @!p0 [hbm:s6], $0xF7A  }
0x23: {  	s9 =	sor.u32 $0xD0000000, s2;
	s6 =	simm.s32 $0x108;
	_ =	swait.ge @!p0 [sflag:s8], $0x0  }
0x24: {  	s3 =	sadd.s32 $0x88, s3;
	s6 =	simm.s32 @!p1 $0x1082;
	[sflag:s4] =	ssyncset.s32 $0xFFFFF086  }
0x25: {  	[simem:s6], [sflag:s4] =	dma.local [hbm:s3], $0xF7A  }
0x26: {  	[smem:$0x3F96] =	sst s1;
	(tag) =	ssettag s2;
	_ =	strace s9  }
0x27: {  	s1 =	sld [smem:$0x3FA6]  }
0x28: {  	s2 =	sld [smem:$0x3FA7]  }
0x29: {  	s4 =	sld [smem:$0x3FA9]  }
0x2a: {  	p0 =	seq.s32 s5, $0x0;
	s5 =	sld [smem:$0x3FAA]  }
0x2b: {  	s6 =	sld [smem:$0x3FAB]  }
0x2c: {  	s7 =	sld [smem:$0x3FAC]  }
0x2d: {  	s3 =	simm.s32 $0x108;
	s8 =	sld [smem:$0x3FAD]  }
0x2e: {  	s3 =	simm.s32 @!p0 $0x1082;
	s9 =	sld [smem:$0x3FAE]  }
0x2f: {  	lr =	sadd.s32 s0, s3;
	s0 =	sld [smem:$0x3FA5]  }
0x30: {  	s3 =	sld [smem:$0x3FA8]  }
0x31: {  	[smem:$0x3FB1] =	sst s10  }
0x32: {  	s10 =	sld [smem:$0x3FAF];
	_ =	sdelay $0x3  }
0x33: {  	p0 =	seq.s32 s10, $0x1;
	s10 =	sld [smem:$0x3FB1];
	_ =	sdelay $0x3  }
0x34: {  	[smem:$0x3FB1] =	sst s10  }
0x35: {  	s10 =	sld [smem:$0x3FB0];
	_ =	sdelay $0x3  }
0x36: {  	p1 =	seq.s32 s10, $0x1;
	s10 =	sld [smem:$0x3FB1];
	_ =	sdelay $0x3  }
0x37: {  	[smem:$0x3FB1] =	sst s10  }
0x38: {  	s10 =	sld [smem:$0x3FB2]  }
0x39: {  	_ = 	snop;
	(pc) =	sbr.ind lr, $3  }
0x3a: {  	_ = 	snop  }
0x3b: {  	_ = 	snop  }
0x3c: {  	p2 =	seq.s32 s10, $0x1;
	s10 =	sld [smem:$0x3FB1]  }
0x3d: {  	_ =	shalt  }
0x3e: {  	_ =	shalt  }
0x3f: {  	_ =	shalt  }
0x40: {  	_ =	shalt  }
0x41: {  	_ =	shalt  }
0x42: {  	_ =	shalt  }
0x43: {  	_ =	shalt  }
0x44: {  	_ =	shalt  }
0x45: {  	_ =	shalt  }
0x46: {  	_ =	shalt  }
0x47: {  	_ =	shalt  }
0x48: {  	_ =	shalt  }
0x49: {  	_ =	shalt  }
0x4a: {  	_ =	shalt  }
0x4b: {  	_ =	shalt  }
0x4c: {  	_ =	shalt  }
0x4d: {  	_ =	shalt  }
0x4e: {  	_ =	shalt  }
0x4f: {  	_ =	shalt  }
0x50: {  	_ =	shalt  }
0x51: {  	_ =	shalt  }
0x52: {  	_ =	shalt  }
0x53: {  	_ =	shalt  }
0x54: {  	_ =	shalt  }
0x55: {  	_ =	shalt  }
0x56: {  	_ =	shalt  }
0x57: {  	_ =	shalt  }
0x58: {  	_ =	shalt  }
0x59: {  	_ =	shalt  }
0x5a: {  	_ =	shalt  }
0x5b: {  	_ =	shalt  }
0x5c: {  	_ =	shalt  }
0x5d: {  	_ =	shalt  }
0x5e: {  	_ =	shalt  }
0x5f: {  	_ =	shalt  }
0x60: {  	_ =	shalt  }
0x61: {  	_ =	shalt  }
0x62: {  	_ =	shalt  }
0x63: {  	_ =	shalt  }
0x64: {  	_ =	shalt  }
0x65: {  	_ =	shalt  }
0x66: {  	_ =	shalt  }
0x67: {  	_ =	shalt  }
0x68: {  	_ =	shalt  }
0x69: {  	_ =	shalt  }
0x6a: {  	_ =	shalt  }
0x6b: {  	_ =	shalt  }
0x6c: {  	_ =	shalt  }
0x6d: {  	_ =	shalt  }
0x6e: {  	_ =	shalt  }
0x6f: {  	_ =	shalt  }
0x70: {  	_ =	shalt  }
0x71: {  	_ =	shalt  }
0x72: {  	_ =	shalt  }
0x73: {  	_ =	shalt  }
0x74: {  	_ =	shalt  }
0x75: {  	_ =	shalt  }
0x76: {  	_ =	shalt  }
0x77: {  	_ =	shalt  }
0x78: {  	_ =	shalt  }
0x79: {  	_ =	shalt  }
0x7a: {  	_ =	shalt  }
0x7b: {  	_ =	shalt  }
0x7c: {  	_ =	shalt  }
0x7d: {  	_ =	shalt  }
0x7e: {  	_ =	shalt  }
0x7f: {  	_ =	shalt  }
0x80: {  	_ =	shalt  }
0x81: {  	_ =	shalt  }
0x82: {  	_ =	shalt  }
0x83: {  	_ =	shalt  }
0x84: {  	_ =	shalt  }
0x85: {  	_ =	shalt  }
0x86: {  	_ =	shalt  }
0x87: {  	_ =	shalt  }
.Lfunc_end0:
.L_simem_size_0:
called_computation.2_lowered:
.L_overlay_start_0:
0x88: {  	s2 =	sld [smem:$0x3FD9]  }
0x89: {  	s3 =	sld [smem:$0x3FFE];
	_ =	sdelay $0x1  }
0x8a: {  	s1 =	srdreg.scid  }
0x8b: {  	s0 =	sand.u32 $0x1, s1  }
0x8c: {  	s17 =	sshll.u32 s0, $0xA;
	s2 =	sadd.s32 s3, s2  }
0x8d: {  	s2 =	sadd.s32 s2, s17  }
0x8e: {  	[smem:$0x3FBD] =	sst s2  }
0x8f: {  	_ = 	snop  }
0x90: {  	s2 =	sld [smem:$0x3FD0];
	(tm) =	ssettm $0x1  }
0x91: {  	s18 =	sld [smem:$0x3FFB];
	_ =	sdelay $0x3  }
0x92: {  	_ =	strace s18  }
0x93: {  	s3 =	sld [smem:$0x3FFC];
	_ =	sdelay $0x3  }
0x94: {  	_ =	strace s3  }
0x95: {  	s3 =	sld [smem:$0x3FFD];
	_ =	sdelay $0x3  }
0x96: {  	_ =	strace s3  }
0x97: {  	_ =	strace $0x8FFFFFFF  }
0x98: {  	s19 =	sld [smem:$0x3FDB];
	_ =	sdelay $0x1  }
0x99: {  	s4 =	simm.s32 $_scs_section_size  }
0x9a: {  	s5 =	simm.s32 $_size__tile_overlayer_lowered;
	s6 =	simm.s32 $_tile_overlayer_lowered  }
0x9b: {  	s22 =	simm.s32 $0x1BFF;
	s21 =	sshll.u32 s6, $0x1;
	s3 =	sadd.s32 s4, s19  }
0x9c: {  	s7 =	simm.s32 $0x0;
	s20 =	sshll.u32 s5, $0x1;
	s5 =	sadd.s32 s21, s3  }
0x9d: {  	[timem:s7], [sflag:s22] =	dma.local [hbm:s5], s20  }
0x9e: {  	_ =	swait.ge [sflag:s22], s20  }
0x9f: {  	s4 =	ssub.s32 $0x0, s20;
	[sflag:s22] =	ssyncset.done $0x0  }
0xa0: {  	[sflag:s22] =	ssyncadd.s32 s4;
	_ =	sdelay $0x1  }
0xa1: {  	s23 =	simm.s32 $0x1B8B  }
0xa2: {  	_ =	swait.ge [sflag:s23], $0x1  }
0xa3: {  	[sflag:s23] =	ssyncset.done $0x0  }
0xa4: {  	s25 =	simm.s32 $0x1B8E;
	s24 =	sld [smem:$0x3FFE];
	[sflag:s23] =	ssyncadd.s32 $0xFFFFFFFF  }
0xa5: {  	s26 =	simm.s32 $execute0_lowered;
	[smem:$0x3FD2] =	sst s25  }
0xa6: {  	s5 =	sshll.u32 s26, $0x1;
	_ =	strace $0x8000004C;
	[dreg:$0x1] =	wrdreg $0xFFFFFFFF  }
0xa7: {  	s28 =	simm.s32 $_size_execute0_lowered;
	s3 =	sadd.s32 s3, s5;
	[dreg:$0x0] =	wrdreg $0x0  }
0xa8: {  	s5 =	sshll.u32 s28, $0x1;
	[dreg:$0x2] =	wrdreg s3  }
0xa9: {  	[dreg:$0x3] =	wrdreg s5  }
0xaa: {  	[dreg:$0x4] =	wrdreg $0xC0  }
0xab: {  	_ =	task [dreg:s7], $0x5FFFF  }
0xac: {  	[dreg:$0x1] =	wrdreg $0xFFFFFFFF  }
0xad: {  	[dreg:$0x0] =	wrdreg $0x60  }
0xae: {  	[dreg:$0x2] =	wrdreg s2  }
0xaf: {  	[dreg:$0x3] =	wrdreg s24  }
0xb0: {  	[dreg:$0x4] =	wrdreg $0x90000  }
0xb1: {  	[dreg:$0x5] =	wrdreg $0x9  }
0xb2: {  	_ =	task.clear_ibuf [dreg:s7], $0x6FFFF;
	_ =	strace $0x9000004C  }
0xb3: {  	s29 =	simm.s32 $0x9;
	_ =	strace $0x8000004E  }
0xb4: {  	_ =	swait.ge [sflag:s29], $0x1  }
0xb5: {  	[sflag:s29] =	ssyncadd.s32 $0xFFFFFFFF  }
0xb6: {  	_ =	strace $0x9000004E  }
0xb7: {  	_ =	sfence  }
0xb8: {  	s30 =	sld [smem:$0x0];
	_ =	sdelay $0x2  }
0xb9: {  	s31 =	sshll.u32 s1, $0xD;
	s1 =	sshrl.u32 s1, $0x2  }
0xba: {  	s3 =	sand.u32 $0x4000, s31;
	s1 =	sadd.s32 s1, s30  }
0xbb: {  	s0 =	sor.u32 s3, s0;
	s1 =	sshll.u32 s1, $0x11  }
0xbc: {  	s0 =	sor.u32 s1, s0  }
0xbd: {  	s0 =	sadd.s32 $0x8F2B, s0  }
0xbe: {  	[sflag:s0] =	ssyncadd.remote.s32 $0x1  }
0xbf: {  	_ =	sfence.sel $0xFFFF  }
0xc0: {  	[dreg:$0x0] =	wrdreg $0xFFFFFFFF;
	(pc) =	sbr.abs _section_cstart, $3  }
0xc1: {  	[dreg:$0x1] =	wrdreg $0xFFFFFFFF  }
0xc2: {  	_ =	task.clear_ibuf [dreg:s7], $0x2FFFF;
	_ =	strace $0x9FFFFFFF  }
0xc3: {  	(tm) =	ssettm $0x7FFFFFFF  }
tec
execute0_lowered:
.L_overlay_start_1:
0x0: {  	(tag) =	ssettag $0x1  }
0x1: {  	s1 =	rddreg [dreg:$0x0]  }
0x2: {  	s2 =	srdreg.scid;
	s7 =	rddreg [dreg:$0x1]  }
0x3: {  	s0 =	stileid.u32;
	s3 =	rddreg [dreg:$0x2];
	s4 =	simm.s32 $0x0  }
0x4: {  	s14 =	simm.s32 $0x80;
	s15 =	simm.s32 $0x5000;
	s16 =	simm.s32 $0x1  }
0x5: {  	s17 =	simm.s32 $0x0;
	s6 =	sand.u32 $0x1, s2;
	s9 =	smul.u32 $0x13C00, s0  }
0x6: {  	s26 =	sshll.u32 s0, $0x1;
	[smem:$0x7FF] =	sst s4;
	s28 =	smul.u32 $0x4F000, s0  }
0x7: {  	s31 =	sshll.u32 s0, $0x6;
	s2 =	sor.u32 s6, s26;
	s8 =	smul.u32 $0x13C000, s6  }
0x8: {  	s6 =	ssub.s32 $0x2, s6;
	s5 =	smul.u32 $0x500, s2;
	s2 =	rddreg [dreg:$0x3]  }
0x9: {  	_ =	strace $0x8000004D;
	s29 =	sshrl.u32 s6, $0x1;
	s30 =	sshrl.u32 s28, $0x2  }
0xa: {  	s8 =	sadd.s32 s9, s8;
	s12 =	ssub.s32 s6, s29;
	s13 =	sadd.s32 s30, s3  }
0xb: {  	s6 =	sor.u32 $0x1C02, s31;
	s10 =	sadd.s32 s5, s7;
	s8 =	sshrl.u32 s8, $0x3  }
0xc: {  	s5 =	sadd.s32 $0x17000, s7;
	s11 =	sadd.s32 s8, s7;
	s7 =	sadd.s32 $0xD000, s10  }
0xd: {  	s8 =	sadd.s32 $0x3000, s10;
	s10 =	smax.u32 s12, $0x1;
	s12 =	simm.s32 $0x2  }
0xe: {  	s9 =	sadd.s32 $0x19800, s11;
	s11 =	sshrl.u32 s13, $0x3;
	s13 =	simm.s32 $0x2800  }
.LBB2_1:
0xf: {  	[spmem:s11], [sflag:s6] =	dma.local [hbm:s5], $0x2780  }
0x10: {  	_ =	swait.ge [sflag:s12], $0x2780  }
0x11: {  	[sflag:s12] =	ssyncset.done $0x0  }
0x12: {  	[sflag:s12] =	ssyncadd.s32 $0xFFFFD880  }
0x13: {  	[tilespmem:s4], [sflag:$0x2] =	stream.linear.gather [hbm4b:s7+s4], $0x2780, $0x38;
	[tilespmem:$0x1CC00] =	vst v63  }
0x14: {  	_ =	swait.ge [sflag:s12], $0x2780  }
0x15: {  	[sflag:s12] =	ssyncset.done $0x0  }
0x16: {  	[sflag:s12] =	ssyncadd.s32 $0xFFFFD880  }
0x17: {  	[tilespmem:s13], [sflag:$0x2] =	stream.linear.gather [hbm4b:s8+s4], $0x2780, $0x38;
	[tilespmem:$0x1CC00] =	vst v63  }
0x18: {  	_ =	swait.ge [sflag:s12], $0x2780  }
0x19: {  	[sflag:s12] =	ssyncset.done $0x0  }
0x1a: {  	[sflag:s12] =	ssyncadd.s32 $0xFFFFD880  }
0x1b: {  	s18 =	simm.s32 $0x0;
	[bflag:$0x0] =	sbarrier.arrive $0xFFFF  }
0x1c: {  	[tilespmem:s15], [sflag:$0x1] =	stream.indirect.gather [hbm4b:s1+s14], $0x80, s18, s14, $0xb8;
	[tilespmem:$0x1CC00] =	vst v63  }
0x1d: {  	_ =	swait.ge [sflag:s16], $0x4000  }
0x1e: {  	[sflag:s16] =	ssyncset.done $0x0  }
0x1f: {  	s31 =	simm.s32 $0x2800;
	[sflag:s16] =	ssyncadd.s32 $0xFFFFC000  }
0x20: {  	[spmem:s3] =	stream.indirect.scatter.add.f32 [tilespmem:s15], [sflag:$0x2], $0x80, s31, s14, $0xb8;
	[tilespmem:$0x1CC00] =	vst v63  }
0x21: {  	_ =	swait.ge [sflag:s12], $0x4000  }
0x22: {  	s19 =	simm.s32 $0x400;
	s18 =	simm.s32 $0x200;
	[sflag:s12] =	ssyncset.done $0x0  }
.LBB2_2:
0x23: {  	s20 =	sshra.s32 s18, $0x2  }
0x24: {  	[sflag:s12] =	ssyncadd.s32 $0xFFFFC000;
	s18 =	smov.u32 s19;
	s21 =	sadd.s32 $0x200, s19  }
0x25: {  	[tilespmem:s15], [sflag:$0x1] =	stream.indirect.gather [hbm4b:s1+s14], $0x80, s20, s14, $0xb8;
	[tilespmem:$0x1CC00] =	vst v63  }
0x26: {  	p0 =	sne.s32 s19, $0x9C00;
	_ =	swait.ge [sflag:s16], $0x4000  }
.Ltmp0:
0x27: {  	[sflag:s16] =	ssyncset.done $0x0;
	(pc) =	sbr.rel @p0 .LBB2_2-.Ltmp0, $4  }
0x28: {  	s19 =	sadd.s32 $0x2800, s20;
	[sflag:s16] =	ssyncadd.s32 $0xFFFFC000  }
0x29: {  	[spmem:s3] =	stream.indirect.scatter.add.f32 [tilespmem:s15], [sflag:$0x2], $0x80, s19, s14, $0xb8;
	[tilespmem:$0x1CC00] =	vst v63  }
0x2a: {  	_ =	swait.ge [sflag:s12], $0x4000  }
0x2b: {  	s19 =	smov.u32 s21;
	[sflag:s12] =	ssyncset.done $0x0  }
0x2c: {  	s18 =	sshra.s32 s18, $0x2;
	[sflag:s12] =	ssyncadd.s32 $0xFFFFC000  }
0x2d: {  	[tilespmem:s15], [sflag:$0x1] =	stream.indirect.gather [hbm4b:s1+s14], $0x80, s18, s14, $0xb8;
	[tilespmem:$0x1CC00] =	vst v63  }
0x2e: {  	_ =	swait.ge [sflag:s16], $0x4000  }
0x2f: {  	[sflag:s16] =	ssyncset.done $0x0  }
0x30: {  	s18 =	sadd.s32 $0x2800, s18;
	[sflag:s16] =	ssyncadd.s32 $0xFFFFC000  }
0x31: {  	[spmem:s3] =	stream.indirect.scatter.add.f32 [tilespmem:s15], [sflag:$0x2], $0x80, s18, s14, $0xb8;
	[tilespmem:$0x1CC00] =	vst v63  }
0x32: {  	_ =	swait.ge [sflag:s12], $0x4000  }
0x33: {  	s17 =	sadd.s32 $0x1, s17;
	[sflag:s12] =	ssyncset.done $0x0  }
0x34: {  	p0 =	sne.s32 s17, s10;
	[sflag:s12] =	ssyncadd.s32 $0xFFFFC000  }
.Ltmp1:
0x35: {  	[bflag:$0x0] =	sbarrier.arrive $0xFFFF;
	(pc) =	sbr.rel @p0 .LBB2_1-.Ltmp1, $4  }
0x36: {  	[hbm:s9], [sflag:s6] =	dma.local [spmem:s11], $0x2780  }
0x37: {  	_ =	swait.ge [sflag:s12], $0x2780  }
0x38: {  	[sflag:s12] =	ssyncset.done $0x0  }
0x39: {  	[sflag:s12] =	ssyncadd.s32 $0xFFFFD880  }
0x3a: {  	_ =	sfence.sel $0x180000  }
0x3b: {  	[bflag:$0x0] =	sbarrier.arrive $0xFFFF  }
0x3c: {  	p0 =	sne.s32 s0, $0x0;
	_ =	strace $0x9000004D  }
0x3d: {  	s0 =	sadd.s32 @!p0 $0x100000, s2;
	[bflag:$0x2] =	sbarrier.arrive $0xFFFF  }
0x3e: {  	[sflag:s0] =	ssyncadd.tile.s32 @!p0 $0x1;
	_ =	shalt  }
.Lfunc_end2:
_tile_overlayer_lowered:
.L_overlay_start_2:
0x3f: {  	(tag) =	ssettag $0x2  }
0x40: {  	s0 =	rddreg [dreg:$0x0];
	s2 =	stileid.u32  }
0x41: {  	s1 =	rddreg [dreg:$0x1];
	p0 =	sne.s32 s2, $0x0  }
0x42: {  	s3 =	rddreg [dreg:$0x2];
	[bflag:$0x3] =	sbarrier.arrive $0xFFFF;
	s2 =	simm.s32 @!p0 $0x1C02  }
0x43: {  	[timem:s3], [sflag:s2] =	dma.local @!p0 [hbm:s0], s1  }
0x44: {  	s0 =	simm.s32 @!p0 $0x2  }
0x45: {  	_ =	swait.ge @!p0 [sflag:s0], s1  }
0x46: {  	s1 =	ssub.s32 @!p0 $0x0, s1;
	[sflag:s0] =	ssyncset.done @!p0 $0x0  }
0x47: {  	[sflag:s0] =	ssyncadd.s32 @!p0 s1  }
0x48: {  	[bflag:$0x3] =	sbarrier.arrive $0xFFFF  }
0x49: {  	_ =	shalt  }

// kernel: kernel.18.cloned.1.call-start
scs
__scs_entry_jumppad:
0x0: {  	(pc) =	sbr.rel $0x88, $3  }
0x1: {  	(tag) =	ssettag $0x0;
	lr =	simm.s32 $0x1  }
0x2: {  	[smem:$0x3F96] =	sst lr;
	_ =	strace $0xD0000000  }
0x3: {  	_ = 	snop  }
0x4: {  	_ = 	snop  }
0x5: {  	_ = 	snop  }
0x6: {  	_ = 	snop  }
0x7: {  	_ = 	snop  }
__scs_overlays_trampoline_lowered:
0x8: {  	[smem:$0x3FA5] =	sst s0  }
0x9: {  	[smem:$0x3FA6] =	sst s1  }
0xa: {  	[smem:$0x3FA7] =	sst s2  }
0xb: {  	[smem:$0x3FA8] =	sst s3  }
0xc: {  	[smem:$0x3FA9] =	sst s4  }
0xd: {  	[smem:$0x3FAA] =	sst s5  }
0xe: {  	[smem:$0x3FAB] =	sst s6  }
0xf: {  	[smem:$0x3FAC] =	sst s7  }
0x10: {  	[smem:$0x3FAD] =	sst s8  }
0x11: {  	[smem:$0x3FAE] =	sst s9;
	s0 =	simm.s32 @!p0 $0x0  }
0x12: {  	s1 =	sld [smem:$0x3F94];
	s0 =	simm.s32 @p0 $0x1  }
0x13: {  	[smem:$0x3FAF] =	sst s0;
	s0 =	simm.s32 @!p1 $0x0  }
0x14: {  	s2 =	sld [smem:$0x3F93];
	s0 =	simm.s32 @p1 $0x1  }
0x15: {  	[smem:$0x3FB0] =	sst s0;
	s0 =	simm.s32 @!p2 $0x0  }
0x16: {  	s3 =	sld [smem:$0x3FDB];
	s0 =	simm.s32 @p2 $0x1  }
0x17: {  	s4 =	simm.s32 $0x1BF5;
	[smem:$0x3FB2] =	sst s0  }
0x18: {  	s0 =	sld [smem:$0x3F95];
	_ =	swait.ge [sflag:s4], $0x0  }
0x19: {  	s7 =	sld [smem:$0x3F96]  }
0x1a: {  	s8 =	sadd.s32 $0xFFFFE003, lr  }
0x1b: {  	s9 =	sadd.s32 $0xFFFFFEF7, lr;
	s5 =	simm.s32 $0xFFFFFFFF;
	p2 =	slt.u32 s8, $0xFFFFF086  }
0x1c: {  	p1 =	slt.u32 s9, $0xF7A;
	s5 =	simm.s32 @!p2 $0x0  }
0x1d: {  	s5 =	simm.s32 @p1 $0x1;
	p0 =	seq.s32 s7, s2  }
0x1e: {  	s7 =	smul.u32 @!p0 $0xF7A, s2;
	p2 =	seq.s32 @!p0 s5, $0x0  }
0x1f: {  	s9 =	smul.u32 $0xF7A, s1;
	s8 =	simm.s32 @!p0 $0x1BF5;
	p2 =	por !p2, p0  }
0x20: {  	[sflag:s8] =	ssyncset.s32 @!p0 $0xFFFFF086;
	s6 =	sadd.s32 @!p0 s3, s7;
	s7 =	simm.s32 @!p0 $0x108  }
0x21: {  	s3 =	sadd.s32 s3, s9;
	s6 =	sadd.s32 @!p0 $0x88, s6;
	s7 =	simm.s32 @p2 $0x1082  }
0x22: {  	[simem:s7], [sflag:s8] =	dma.local @!p0 [hbm:s6], $0xF7A  }
0x23: {  	s9 =	sor.u32 $0xD0000000, s2;
	s6 =	simm.s32 $0x108;
	_ =	swait.ge @!p0 [sflag:s8], $0x0  }
0x24: {  	s3 =	sadd.s32 $0x88, s3;
	s6 =	simm.s32 @!p1 $0x1082;
	[sflag:s4] =	ssyncset.s32 $0xFFFFF086  }
0x25: {  	[simem:s6], [sflag:s4] =	dma.local [hbm:s3], $0xF7A  }
0x26: {  	[smem:$0x3F96] =	sst s1;
	(tag) =	ssettag s2;
	_ =	strace s9  }
0x27: {  	s1 =	sld [smem:$0x3FA6]  }
0x28: {  	s2 =	sld [smem:$0x3FA7]  }
0x29: {  	s4 =	sld [smem:$0x3FA9]  }
0x2a: {  	p0 =	seq.s32 s5, $0x0;
	s5 =	sld [smem:$0x3FAA]  }
0x2b: {  	s6 =	sld [smem:$0x3FAB]  }
0x2c: {  	s7 =	sld [smem:$0x3FAC]  }
0x2d: {  	s3 =	simm.s32 $0x108;
	s8 =	sld [smem:$0x3FAD]  }
0x2e: {  	s3 =	simm.s32 @!p0 $0x1082;
	s9 =	sld [smem:$0x3FAE]  }
0x2f: {  	lr =	sadd.s32 s0, s3;
	s0 =	sld [smem:$0x3FA5]  }
0x30: {  	s3 =	sld [smem:$0x3FA8]  }
0x31: {  	[smem:$0x3FB1] =	sst s10  }
0x32: {  	s10 =	sld [smem:$0x3FAF];
	_ =	sdelay $0x3  }
0x33: {  	p0 =	seq.s32 s10, $0x1;
	s10 =	sld [smem:$0x3FB1];
	_ =	sdelay $0x3  }
0x34: {  	[smem:$0x3FB1] =	sst s10  }
0x35: {  	s10 =	sld [smem:$0x3FB0];
	_ =	sdelay $0x3  }
0x36: {  	p1 =	seq.s32 s10, $0x1;
	s10 =	sld [smem:$0x3FB1];
	_ =	sdelay $0x3  }
0x37: {  	[smem:$0x3FB1] =	sst s10  }
0x38: {  	s10 =	sld [smem:$0x3FB2]  }
0x39: {  	_ = 	snop;
	(pc) =	sbr.ind lr, $3  }
0x3a: {  	_ = 	snop  }
0x3b: {  	_ = 	snop  }
0x3c: {  	p2 =	seq.s32 s10, $0x1;
	s10 =	sld [smem:$0x3FB1]  }
0x3d: {  	_ =	shalt  }
0x3e: {  	_ =	shalt  }
0x3f: {  	_ =	shalt  }
0x40: {  	_ =	shalt  }
0x41: {  	_ =	shalt  }
0x42: {  	_ =	shalt  }
0x43: {  	_ =	shalt  }
0x44: {  	_ =	shalt  }
0x45: {  	_ =	shalt  }
0x46: {  	_ =	shalt  }
0x47: {  	_ =	shalt  }
0x48: {  	_ =	shalt  }
0x49: {  	_ =	shalt  }
0x4a: {  	_ =	shalt  }
0x4b: {  	_ =	shalt  }
0x4c: {  	_ =	shalt  }
0x4d: {  	_ =	shalt  }
0x4e: {  	_ =	shalt  }
0x4f: {  	_ =	shalt  }
0x50: {  	_ =	shalt  }
0x51: {  	_ =	shalt  }
0x52: {  	_ =	shalt  }
0x53: {  	_ =	shalt  }
0x54: {  	_ =	shalt  }
0x55: {  	_ =	shalt  }
0x56: {  	_ =	shalt  }
0x57: {  	_ =	shalt  }
0x58: {  	_ =	shalt  }
0x59: {  	_ =	shalt  }
0x5a: {  	_ =	shalt  }
0x5b: {  	_ =	shalt  }
0x5c: {  	_ =	shalt  }
0x5d: {  	_ =	shalt  }
0x5e: {  	_ =	shalt  }
0x5f: {  	_ =	shalt  }
0x60: {  	_ =	shalt  }
0x61: {  	_ =	shalt  }
0x62: {  	_ =	shalt  }
0x63: {  	_ =	shalt  }
0x64: {  	_ =	shalt  }
0x65: {  	_ =	shalt  }
0x66: {  	_ =	shalt  }
0x67: {  	_ =	shalt  }
0x68: {  	_ =	shalt  }
0x69: {  	_ =	shalt  }
0x6a: {  	_ =	shalt  }
0x6b: {  	_ =	shalt  }
0x6c: {  	_ =	shalt  }
0x6d: {  	_ =	shalt  }
0x6e: {  	_ =	shalt  }
0x6f: {  	_ =	shalt  }
0x70: {  	_ =	shalt  }
0x71: {  	_ =	shalt  }
0x72: {  	_ =	shalt  }
0x73: {  	_ =	shalt  }
0x74: {  	_ =	shalt  }
0x75: {  	_ =	shalt  }
0x76: {  	_ =	shalt  }
0x77: {  	_ =	shalt  }
0x78: {  	_ =	shalt  }
0x79: {  	_ =	shalt  }
0x7a: {  	_ =	shalt  }
0x7b: {  	_ =	shalt  }
0x7c: {  	_ =	shalt  }
0x7d: {  	_ =	shalt  }
0x7e: {  	_ =	shalt  }
0x7f: {  	_ =	shalt  }
0x80: {  	_ =	shalt  }
0x81: {  	_ =	shalt  }
0x82: {  	_ =	shalt  }
0x83: {  	_ =	shalt  }
0x84: {  	_ =	shalt  }
0x85: {  	_ =	shalt  }
0x86: {  	_ =	shalt  }
0x87: {  	_ =	shalt  }
.Lfunc_end0:
.L_simem_size_0:
called_computation.3_lowered:
.L_overlay_start_0:
0x88: {  	s2 =	sld [smem:$0x3FD9]  }
0x89: {  	s3 =	sld [smem:$0x3FFE];
	_ =	sdelay $0x1  }
0x8a: {  	s1 =	srdreg.scid  }
0x8b: {  	s0 =	sand.u32 $0x1, s1  }
0x8c: {  	s17 =	sshll.u32 s0, $0xA;
	s2 =	sadd.s32 s3, s2  }
0x8d: {  	s2 =	sadd.s32 s2, s17  }
0x8e: {  	[smem:$0x3FBD] =	sst s2  }
0x8f: {  	_ = 	snop  }
0x90: {  	s2 =	sld [smem:$0x3FD0];
	(tm) =	ssettm $0x1  }
0x91: {  	s18 =	sld [smem:$0x3FFB];
	_ =	sdelay $0x3  }
0x92: {  	_ =	strace s18  }
0x93: {  	s3 =	sld [smem:$0x3FFC];
	_ =	sdelay $0x3  }
0x94: {  	_ =	strace s3  }
0x95: {  	s3 =	sld [smem:$0x3FFD];
	_ =	sdelay $0x3  }
0x96: {  	_ =	strace s3  }
0x97: {  	_ =	strace $0x8FFFFFFF  }
0x98: {  	s19 =	sld [smem:$0x3FDB];
	_ =	sdelay $0x1  }
0x99: {  	s4 =	simm.s32 $_scs_section_size  }
0x9a: {  	s5 =	simm.s32 $_size__tile_overlayer_lowered;
	s6 =	simm.s32 $_tile_overlayer_lowered  }
0x9b: {  	s22 =	simm.s32 $0x1BFF;
	s21 =	sshll.u32 s6, $0x1;
	s3 =	sadd.s32 s4, s19  }
0x9c: {  	s7 =	simm.s32 $0x0;
	s20 =	sshll.u32 s5, $0x1;
	s5 =	sadd.s32 s21, s3  }
0x9d: {  	[timem:s7], [sflag:s22] =	dma.local [hbm:s5], s20  }
0x9e: {  	_ =	swait.ge [sflag:s22], s20  }
0x9f: {  	s4 =	ssub.s32 $0x0, s20;
	[sflag:s22] =	ssyncset.done $0x0  }
0xa0: {  	[sflag:s22] =	ssyncadd.s32 s4;
	_ =	sdelay $0x1  }
0xa1: {  	s23 =	simm.s32 $0x1B8B  }
0xa2: {  	_ =	swait.ge [sflag:s23], $0x1  }
0xa3: {  	[sflag:s23] =	ssyncset.done $0x0  }
0xa4: {  	s25 =	simm.s32 $0x1B8E;
	s24 =	sld [smem:$0x3FFE];
	[sflag:s23] =	ssyncadd.s32 $0xFFFFFFFF  }
0xa5: {  	s26 =	simm.s32 $execute0_lowered;
	[smem:$0x3FD2] =	sst s25  }
0xa6: {  	s5 =	sshll.u32 s26, $0x1;
	_ =	strace $0x8000004F;
	[dreg:$0x1] =	wrdreg $0xFFFFFFFF  }
0xa7: {  	s28 =	simm.s32 $_size_execute0_lowered;
	s3 =	sadd.s32 s3, s5;
	[dreg:$0x0] =	wrdreg $0x0  }
0xa8: {  	s5 =	sshll.u32 s28, $0x1;
	[dreg:$0x2] =	wrdreg s3  }
0xa9: {  	[dreg:$0x3] =	wrdreg s5  }
0xaa: {  	[dreg:$0x4] =	wrdreg $0xC0  }
0xab: {  	_ =	task [dreg:s7], $0x5FFFF  }
0xac: {  	[dreg:$0x1] =	wrdreg $0xFFFFFFFF  }
0xad: {  	[dreg:$0x0] =	wrdreg $0x60  }
0xae: {  	[dreg:$0x2] =	wrdreg s2  }
0xaf: {  	[dreg:$0x3] =	wrdreg s24  }
0xb0: {  	[dreg:$0x4] =	wrdreg $0x90000  }
0xb1: {  	[dreg:$0x5] =	wrdreg $0x9  }
0xb2: {  	_ =	task.clear_ibuf [dreg:s7], $0x6FFFF;
	_ =	strace $0x9000004F  }
0xb3: {  	s29 =	simm.s32 $0x9;
	_ =	strace $0x80000051  }
0xb4: {  	_ =	swait.ge [sflag:s29], $0x1  }
0xb5: {  	[sflag:s29] =	ssyncadd.s32 $0xFFFFFFFF  }
0xb6: {  	_ =	strace $0x90000051  }
0xb7: {  	_ =	sfence  }
0xb8: {  	s30 =	sld [smem:$0x0];
	_ =	sdelay $0x2  }
0xb9: {  	s31 =	sshll.u32 s1, $0xD;
	s1 =	sshrl.u32 s1, $0x2  }
0xba: {  	s3 =	sand.u32 $0x4000, s31;
	s1 =	sadd.s32 s1, s30  }
0xbb: {  	s0 =	sor.u32 s3, s0;
	s1 =	sshll.u32 s1, $0x11  }
0xbc: {  	s0 =	sor.u32 s1, s0  }
0xbd: {  	s0 =	sadd.s32 $0x8F2B, s0  }
0xbe: {  	[sflag:s0] =	ssyncadd.remote.s32 $0x1  }
0xbf: {  	_ =	sfence.sel $0xFFFF  }
0xc0: {  	[dreg:$0x0] =	wrdreg $0xFFFFFFFF;
	(pc) =	sbr.abs _section_cstart, $3  }
0xc1: {  	[dreg:$0x1] =	wrdreg $0xFFFFFFFF  }
0xc2: {  	_ =	task.clear_ibuf [dreg:s7], $0x2FFFF;
	_ =	strace $0x9FFFFFFF  }
0xc3: {  	(tm) =	ssettm $0x7FFFFFFF  }
tec
execute0_lowered:
.L_overlay_start_1:
0x0: {  	(tag) =	ssettag $0x1  }
0x1: {  	s1 =	rddreg [dreg:$0x0]  }
0x2: {  	s2 =	srdreg.scid;
	s7 =	rddreg [dreg:$0x1]  }
0x3: {  	s0 =	stileid.u32;
	s3 =	rddreg [dreg:$0x2];
	s4 =	simm.s32 $0x0  }
0x4: {  	s14 =	simm.s32 $0x80;
	s15 =	simm.s32 $0x5000;
	s16 =	simm.s32 $0x1  }
0x5: {  	s17 =	simm.s32 $0x0;
	s6 =	sand.u32 $0x1, s2;
	s9 =	smul.u32 $0x13C00, s0  }
0x6: {  	s26 =	sshll.u32 s0, $0x1;
	[smem:$0x7FF] =	sst s4;
	s28 =	smul.u32 $0x4F000, s0  }
0x7: {  	s31 =	sshll.u32 s0, $0x6;
	s2 =	sor.u32 s6, s26;
	s8 =	smul.u32 $0x13C000, s6  }
0x8: {  	s6 =	ssub.s32 $0x2, s6;
	s5 =	smul.u32 $0x500, s2;
	s2 =	rddreg [dreg:$0x3]  }
0x9: {  	_ =	strace $0x80000050;
	s29 =	sshrl.u32 s6, $0x1;
	s30 =	sshrl.u32 s28, $0x2  }
0xa: {  	s8 =	sadd.s32 s9, s8;
	s12 =	ssub.s32 s6, s29;
	s13 =	sadd.s32 s30, s3  }
0xb: {  	s6 =	sor.u32 $0x1C02, s31;
	s10 =	sadd.s32 s5, s7;
	s8 =	sshrl.u32 s8, $0x3  }
0xc: {  	s5 =	sadd.s32 $0x17000, s7;
	s11 =	sadd.s32 s8, s7;
	s7 =	sadd.s32 $0xD000, s10  }
0xd: {  	s8 =	sadd.s32 $0x3000, s10;
	s10 =	smax.u32 s12, $0x1;
	s12 =	simm.s32 $0x2  }
0xe: {  	s9 =	sadd.s32 $0x19800, s11;
	s11 =	sshrl.u32 s13, $0x3;
	s13 =	simm.s32 $0x2800  }
.LBB2_1:
0xf: {  	[spmem:s11], [sflag:s6] =	dma.local [hbm:s5], $0x2780  }
0x10: {  	_ =	swait.ge [sflag:s12], $0x2780  }
0x11: {  	[sflag:s12] =	ssyncset.done $0x0  }
0x12: {  	[sflag:s12] =	ssyncadd.s32 $0xFFFFD880  }
0x13: {  	[tilespmem:s4], [sflag:$0x2] =	stream.linear.gather [hbm4b:s7+s4], $0x2780, $0x38;
	[tilespmem:$0x1CC00] =	vst v63  }
0x14: {  	_ =	swait.ge [sflag:s12], $0x2780  }
0x15: {  	[sflag:s12] =	ssyncset.done $0x0  }
0x16: {  	[sflag:s12] =	ssyncadd.s32 $0xFFFFD880  }
0x17: {  	[tilespmem:s13], [sflag:$0x2] =	stream.linear.gather [hbm4b:s8+s4], $0x2780, $0x38;
	[tilespmem:$0x1CC00] =	vst v63  }
0x18: {  	_ =	swait.ge [sflag:s12], $0x2780  }
0x19: {  	[sflag:s12] =	ssyncset.done $0x0  }
0x1a: {  	[sflag:s12] =	ssyncadd.s32 $0xFFFFD880  }
0x1b: {  	s18 =	simm.s32 $0x0;
	[bflag:$0x0] =	sbarrier.arrive $0xFFFF  }
0x1c: {  	[tilespmem:s15], [sflag:$0x1] =	stream.indirect.gather [hbm4b:s1+s14], $0x80, s18, s14, $0xb8;
	[tilespmem:$0x1CC00] =	vst v63  }
0x1d: {  	_ =	swait.ge [sflag:s16], $0x4000  }
0x1e: {  	[sflag:s16] =	ssyncset.done $0x0  }
0x1f: {  	s31 =	simm.s32 $0x2800;
	[sflag:s16] =	ssyncadd.s32 $0xFFFFC000  }
0x20: {  	[spmem:s3] =	stream.indirect.scatter.add.f32 [tilespmem:s15], [sflag:$0x2], $0x80, s31, s14, $0xb8;
	[tilespmem:$0x1CC00] =	vst v63  }
0x21: {  	_ =	swait.ge [sflag:s12], $0x4000  }
0x22: {  	s19 =	simm.s32 $0x400;
	s18 =	simm.s32 $0x200;
	[sflag:s12] =	ssyncset.done $0x0  }
.LBB2_2:
0x23: {  	s20 =	sshra.s32 s18, $0x2  }
0x24: {  	[sflag:s12] =	ssyncadd.s32 $0xFFFFC000;
	s18 =	smov.u32 s19;
	s21 =	sadd.s32 $0x200, s19  }
0x25: {  	[tilespmem:s15], [sflag:$0x1] =	stream.indirect.gather [hbm4b:s1+s14], $0x80, s20, s14, $0xb8;
	[tilespmem:$0x1CC00] =	vst v63  }
0x26: {  	p0 =	sne.s32 s19, $0x9C00;
	_ =	swait.ge [sflag:s16], $0x4000  }
.Ltmp0:
0x27: {  	[sflag:s16] =	ssyncset.done $0x0;
	(pc) =	sbr.rel @p0 .LBB2_2-.Ltmp0, $4  }
0x28: {  	s19 =	sadd.s32 $0x2800, s20;
	[sflag:s16] =	ssyncadd.s32 $0xFFFFC000  }
0x29: {  	[spmem:s3] =	stream.indirect.scatter.add.f32 [tilespmem:s15], [sflag:$0x2], $0x80, s19, s14, $0xb8;
	[tilespmem:$0x1CC00] =	vst v63  }
0x2a: {  	_ =	swait.ge [sflag:s12], $0x4000  }
0x2b: {  	s19 =	smov.u32 s21;
	[sflag:s12] =	ssyncset.done $0x0  }
0x2c: {  	s18 =	sshra.s32 s18, $0x2;
	[sflag:s12] =	ssyncadd.s32 $0xFFFFC000  }
0x2d: {  	[tilespmem:s15], [sflag:$0x1] =	stream.indirect.gather [hbm4b:s1+s14], $0x80, s18, s14, $0xb8;
	[tilespmem:$0x1CC00] =	vst v63  }
0x2e: {  	_ =	swait.ge [sflag:s16], $0x4000  }
0x2f: {  	[sflag:s16] =	ssyncset.done $0x0  }
0x30: {  	s18 =	sadd.s32 $0x2800, s18;
	[sflag:s16] =	ssyncadd.s32 $0xFFFFC000  }
0x31: {  	[spmem:s3] =	stream.indirect.scatter.add.f32 [tilespmem:s15], [sflag:$0x2], $0x80, s18, s14, $0xb8;
	[tilespmem:$0x1CC00] =	vst v63  }
0x32: {  	_ =	swait.ge [sflag:s12], $0x4000  }
0x33: {  	s17 =	sadd.s32 $0x1, s17;
	[sflag:s12] =	ssyncset.done $0x0  }
0x34: {  	p0 =	sne.s32 s17, s10;
	[sflag:s12] =	ssyncadd.s32 $0xFFFFC000  }
.Ltmp1:
0x35: {  	[bflag:$0x0] =	sbarrier.arrive $0xFFFF;
	(pc) =	sbr.rel @p0 .LBB2_1-.Ltmp1, $4  }
0x36: {  	[hbm:s9], [sflag:s6] =	dma.local [spmem:s11], $0x2780  }
0x37: {  	_ =	swait.ge [sflag:s12], $0x2780  }
0x38: {  	[sflag:s12] =	ssyncset.done $0x0  }
0x39: {  	[sflag:s12] =	ssyncadd.s32 $0xFFFFD880  }
0x3a: {  	_ =	sfence.sel $0x180000  }
0x3b: {  	[bflag:$0x0] =	sbarrier.arrive $0xFFFF  }
0x3c: {  	p0 =	sne.s32 s0, $0x0;
	_ =	strace $0x90000050  }
0x3d: {  	s0 =	sadd.s32 @!p0 $0x100000, s2;
	[bflag:$0x2] =	sbarrier.arrive $0xFFFF  }
0x3e: {  	[sflag:s0] =	ssyncadd.tile.s32 @!p0 $0x1;
	_ =	shalt  }
.Lfunc_end2:
_tile_overlayer_lowered:
.L_overlay_start_2:
0x3f: {  	(tag) =	ssettag $0x2  }
0x40: {  	s0 =	rddreg [dreg:$0x0];
	s2 =	stileid.u32  }
0x41: {  	s1 =	rddreg [dreg:$0x1];
	p0 =	sne.s32 s2, $0x0  }
0x42: {  	s3 =	rddreg [dreg:$0x2];
	[bflag:$0x3] =	sbarrier.arrive $0xFFFF;
	s2 =	simm.s32 @!p0 $0x1C02  }
0x43: {  	[timem:s3], [sflag:s2] =	dma.local @!p0 [hbm:s0], s1  }
0x44: {  	s0 =	simm.s32 @!p0 $0x2  }
0x45: {  	_ =	swait.ge @!p0 [sflag:s0], s1  }
0x46: {  	s1 =	ssub.s32 @!p0 $0x0, s1;
	[sflag:s0] =	ssyncset.done @!p0 $0x0  }
0x47: {  	[sflag:s0] =	ssyncadd.s32 @!p0 s1  }
0x48: {  	[bflag:$0x3] =	sbarrier.arrive $0xFFFF  }
0x49: {  	_ =	shalt  }

// kernel: kernel.9.cloned.1.call-start
scs
__scs_entry_jumppad:
0x0: {  	(pc) =	sbr.rel $0x88, $3  }
0x1: {  	(tag) =	ssettag $0x0;
	lr =	simm.s32 $0x1  }
0x2: {  	[smem:$0x3F96] =	sst lr;
	_ =	strace $0xD0000000  }
0x3: {  	_ = 	snop  }
0x4: {  	_ = 	snop  }
0x5: {  	_ = 	snop  }
0x6: {  	_ = 	snop  }
0x7: {  	_ = 	snop  }
__scs_overlays_trampoline_lowered:
0x8: {  	[smem:$0x3FA5] =	sst s0  }
0x9: {  	[smem:$0x3FA6] =	sst s1  }
0xa: {  	[smem:$0x3FA7] =	sst s2  }
0xb: {  	[smem:$0x3FA8] =	sst s3  }
0xc: {  	[smem:$0x3FA9] =	sst s4  }
0xd: {  	[smem:$0x3FAA] =	sst s5  }
0xe: {  	[smem:$0x3FAB] =	sst s6  }
0xf: {  	[smem:$0x3FAC] =	sst s7  }
0x10: {  	[smem:$0x3FAD] =	sst s8  }
0x11: {  	[smem:$0x3FAE] =	sst s9;
	s0 =	simm.s32 @!p0 $0x0  }
0x12: {  	s1 =	sld [smem:$0x3F94];
	s0 =	simm.s32 @p0 $0x1  }
0x13: {  	[smem:$0x3FAF] =	sst s0;
	s0 =	simm.s32 @!p1 $0x0  }
0x14: {  	s2 =	sld [smem:$0x3F93];
	s0 =	simm.s32 @p1 $0x1  }
0x15: {  	[smem:$0x3FB0] =	sst s0;
	s0 =	simm.s32 @!p2 $0x0  }
0x16: {  	s3 =	sld [smem:$0x3FDB];
	s0 =	simm.s32 @p2 $0x1  }
0x17: {  	s4 =	simm.s32 $0x1BF5;
	[smem:$0x3FB2] =	sst s0  }
0x18: {  	s0 =	sld [smem:$0x3F95];
	_ =	swait.ge [sflag:s4], $0x0  }
0x19: {  	s7 =	sld [smem:$0x3F96]  }
0x1a: {  	s8 =	sadd.s32 $0xFFFFE003, lr  }
0x1b: {  	s9 =	sadd.s32 $0xFFFFFEF7, lr;
	s5 =	simm.s32 $0xFFFFFFFF;
	p2 =	slt.u32 s8, $0xFFFFF086  }
0x1c: {  	p1 =	slt.u32 s9, $0xF7A;
	s5 =	simm.s32 @!p2 $0x0  }
0x1d: {  	s5 =	simm.s32 @p1 $0x1;
	p0 =	seq.s32 s7, s2  }
0x1e: {  	s7 =	smul.u32 @!p0 $0xF7A, s2;
	p2 =	seq.s32 @!p0 s5, $0x0  }
0x1f: {  	s9 =	smul.u32 $0xF7A, s1;
	s8 =	simm.s32 @!p0 $0x1BF5;
	p2 =	por !p2, p0  }
0x20: {  	[sflag:s8] =	ssyncset.s32 @!p0 $0xFFFFF086;
	s6 =	sadd.s32 @!p0 s3, s7;
	s7 =	simm.s32 @!p0 $0x108  }
0x21: {  	s3 =	sadd.s32 s3, s9;
	s6 =	sadd.s32 @!p0 $0x88, s6;
	s7 =	simm.s32 @p2 $0x1082  }
0x22: {  	[simem:s7], [sflag:s8] =	dma.local @!p0 [hbm:s6], $0xF7A  }
0x23: {  	s9 =	sor.u32 $0xD0000000, s2;
	s6 =	simm.s32 $0x108;
	_ =	swait.ge @!p0 [sflag:s8], $0x0  }
0x24: {  	s3 =	sadd.s32 $0x88, s3;
	s6 =	simm.s32 @!p1 $0x1082;
	[sflag:s4] =	ssyncset.s32 $0xFFFFF086  }
0x25: {  	[simem:s6], [sflag:s4] =	dma.local [hbm:s3], $0xF7A  }
0x26: {  	[smem:$0x3F96] =	sst s1;
	(tag) =	ssettag s2;
	_ =	strace s9  }
0x27: {  	s1 =	sld [smem:$0x3FA6]  }
0x28: {  	s2 =	sld [smem:$0x3FA7]  }
0x29: {  	s4 =	sld [smem:$0x3FA9]  }
0x2a: {  	p0 =	seq.s32 s5, $0x0;
	s5 =	sld [smem:$0x3FAA]  }
0x2b: {  	s6 =	sld [smem:$0x3FAB]  }
0x2c: {  	s7 =	sld [smem:$0x3FAC]  }
0x2d: {  	s3 =	simm.s32 $0x108;
	s8 =	sld [smem:$0x3FAD]  }
0x2e: {  	s3 =	simm.s32 @!p0 $0x1082;
	s9 =	sld [smem:$0x3FAE]  }
0x2f: {  	lr =	sadd.s32 s0, s3;
	s0 =	sld [smem:$0x3FA5]  }
0x30: {  	s3 =	sld [smem:$0x3FA8]  }
0x31: {  	[smem:$0x3FB1] =	sst s10  }
0x32: {  	s10 =	sld [smem:$0x3FAF];
	_ =	sdelay $0x3  }
0x33: {  	p0 =	seq.s32 s10, $0x1;
	s10 =	sld [smem:$0x3FB1];
	_ =	sdelay $0x3  }
0x34: {  	[smem:$0x3FB1] =	sst s10  }
0x35: {  	s10 =	sld [smem:$0x3FB0];
	_ =	sdelay $0x3  }
0x36: {  	p1 =	seq.s32 s10, $0x1;
	s10 =	sld [smem:$0x3FB1];
	_ =	sdelay $0x3  }
0x37: {  	[smem:$0x3FB1] =	sst s10  }
0x38: {  	s10 =	sld [smem:$0x3FB2]  }
0x39: {  	_ = 	snop;
	(pc) =	sbr.ind lr, $3  }
0x3a: {  	_ = 	snop  }
0x3b: {  	_ = 	snop  }
0x3c: {  	p2 =	seq.s32 s10, $0x1;
	s10 =	sld [smem:$0x3FB1]  }
0x3d: {  	_ =	shalt  }
0x3e: {  	_ =	shalt  }
0x3f: {  	_ =	shalt  }
0x40: {  	_ =	shalt  }
0x41: {  	_ =	shalt  }
0x42: {  	_ =	shalt  }
0x43: {  	_ =	shalt  }
0x44: {  	_ =	shalt  }
0x45: {  	_ =	shalt  }
0x46: {  	_ =	shalt  }
0x47: {  	_ =	shalt  }
0x48: {  	_ =	shalt  }
0x49: {  	_ =	shalt  }
0x4a: {  	_ =	shalt  }
0x4b: {  	_ =	shalt  }
0x4c: {  	_ =	shalt  }
0x4d: {  	_ =	shalt  }
0x4e: {  	_ =	shalt  }
0x4f: {  	_ =	shalt  }
0x50: {  	_ =	shalt  }
0x51: {  	_ =	shalt  }
0x52: {  	_ =	shalt  }
0x53: {  	_ =	shalt  }
0x54: {  	_ =	shalt  }
0x55: {  	_ =	shalt  }
0x56: {  	_ =	shalt  }
0x57: {  	_ =	shalt  }
0x58: {  	_ =	shalt  }
0x59: {  	_ =	shalt  }
0x5a: {  	_ =	shalt  }
0x5b: {  	_ =	shalt  }
0x5c: {  	_ =	shalt  }
0x5d: {  	_ =	shalt  }
0x5e: {  	_ =	shalt  }
0x5f: {  	_ =	shalt  }
0x60: {  	_ =	shalt  }
0x61: {  	_ =	shalt  }
0x62: {  	_ =	shalt  }
0x63: {  	_ =	shalt  }
0x64: {  	_ =	shalt  }
0x65: {  	_ =	shalt  }
0x66: {  	_ =	shalt  }
0x67: {  	_ =	shalt  }
0x68: {  	_ =	shalt  }
0x69: {  	_ =	shalt  }
0x6a: {  	_ =	shalt  }
0x6b: {  	_ =	shalt  }
0x6c: {  	_ =	shalt  }
0x6d: {  	_ =	shalt  }
0x6e: {  	_ =	shalt  }
0x6f: {  	_ =	shalt  }
0x70: {  	_ =	shalt  }
0x71: {  	_ =	shalt  }
0x72: {  	_ =	shalt  }
0x73: {  	_ =	shalt  }
0x74: {  	_ =	shalt  }
0x75: {  	_ =	shalt  }
0x76: {  	_ =	shalt  }
0x77: {  	_ =	shalt  }
0x78: {  	_ =	shalt  }
0x79: {  	_ =	shalt  }
0x7a: {  	_ =	shalt  }
0x7b: {  	_ =	shalt  }
0x7c: {  	_ =	shalt  }
0x7d: {  	_ =	shalt  }
0x7e: {  	_ =	shalt  }
0x7f: {  	_ =	shalt  }
0x80: {  	_ =	shalt  }
0x81: {  	_ =	shalt  }
0x82: {  	_ =	shalt  }
0x83: {  	_ =	shalt  }
0x84: {  	_ =	shalt  }
0x85: {  	_ =	shalt  }
0x86: {  	_ =	shalt  }
0x87: {  	_ =	shalt  }
.Lfunc_end0:
.L_simem_size_0:
called_computation_lowered:
.L_overlay_start_0:
0x88: {  	s2 =	sld [smem:$0x3FD9]  }
0x89: {  	s3 =	sld [smem:$0x3FFE];
	_ =	sdelay $0x1  }
0x8a: {  	s1 =	srdreg.scid  }
0x8b: {  	s0 =	sand.u32 $0x1, s1  }
0x8c: {  	s17 =	sshll.u32 s0, $0xA;
	s2 =	sadd.s32 s3, s2  }
0x8d: {  	s2 =	sadd.s32 s2, s17  }
0x8e: {  	[smem:$0x3FBD] =	sst s2  }
0x8f: {  	_ = 	snop  }
0x90: {  	s18 =	sld [smem:$0x3FD0];
	(tm) =	ssettm $0x1  }
0x91: {  	s19 =	sld [smem:$0x3FFB];
	_ =	sdelay $0x3  }
0x92: {  	_ =	strace s19  }
0x93: {  	s2 =	sld [smem:$0x3FFC];
	_ =	sdelay $0x3  }
0x94: {  	_ =	strace s2  }
0x95: {  	s2 =	sld [smem:$0x3FFD];
	_ =	sdelay $0x3  }
0x96: {  	_ =	strace s2  }
0x97: {  	_ =	strace $0x8FFFFFFF  }
0x98: {  	s20 =	sld [smem:$0x3FDB];
	_ =	sdelay $0x1  }
0x99: {  	s4 =	simm.s32 $_scs_section_size  }
0x9a: {  	s5 =	simm.s32 $_size__tile_overlayer_lowered;
	s6 =	simm.s32 $_tile_overlayer_lowered  }
0x9b: {  	s7 =	simm.s32 $0x1BFF;
	s21 =	sshll.u32 s6, $0x1;
	s4 =	sadd.s32 s4, s20  }
0x9c: {  	s22 =	simm.s32 $0x0;
	s5 =	sshll.u32 s5, $0x1;
	s6 =	sadd.s32 s21, s4  }
0x9d: {  	[timem:s22], [sflag:s7] =	dma.local [hbm:s6], s5  }
0x9e: {  	_ =	swait.ge [sflag:s7], s5  }
0x9f: {  	s5 =	ssub.s32 $0x0, s5;
	[sflag:s7] =	ssyncset.done $0x0  }
0xa0: {  	[sflag:s7] =	ssyncadd.s32 s5;
	_ =	sdelay $0x1  }
0xa1: {  	s23 =	simm.s32 $0x1B8B  }
0xa2: {  	_ =	swait.ge [sflag:s23], $0x1  }
0xa3: {  	[sflag:s23] =	ssyncset.done $0x0  }
0xa4: {  	[sflag:s23] =	ssyncadd.s32 $0xFFFFFFFF  }
0xa5: {  	s5 =	sld [smem:$0x0]  }
0xa6: {  	s6 =	sand.u32 $0xFFFFFFFE, s1  }
0xa7: {  	p0 =	sne.s32 s1, s6  }
0xa8: {  	s6 =	sshll.u32 @p0 s6, $0xE  }
0xa9: {  	s6 =	sadd.s32 @p0 $0x11B8D, s6;
	s7 =	sshll.u32 @p0 s5, $0x11  }
0xaa: {  	s6 =	sor.u32 @p0 s7, s6  }
0xab: {  	[sflag:s6] =	ssyncadd.remote.s32 @p0 $0x1;
	_ =	sdelay $0x1  }
0xac: {  	s6 =	simm.s32 @p0 $0x1B8D  }
0xad: {  	_ =	swait.eq @p0 [sflag:s6], $0x1  }
0xae: {  	[sflag:s6] =	ssyncadd.s32 @p0 $0xFFFFFFFF  }
0xaf: {  	s7 =	sshll.u32 @!p0 s1, $0xE  }
0xb0: {  	s7 =	sor.u32 @!p0 $0x4000, s7;
	s6 =	simm.s32 @!p0 $0x1B8D  }
0xb1: {  	s5 =	sshll.u32 @!p0 s5, $0x11;
	s7 =	sadd.s32 @!p0 $0x11B8D, s7;
	_ =	swait.eq @!p0 [sflag:s6], $0x1  }
0xb2: {  	s5 =	sor.u32 @!p0 s5, s7;
	[sflag:s6] =	ssyncadd.s32 @!p0 $0xFFFFFFFF  }
0xb3: {  	s25 =	simm.s32 $0x1B8E;
	s24 =	sld [smem:$0x3FFE];
	[sflag:s5] =	ssyncadd.remote.s32 @!p0 $0x1  }
0xb4: {  	s26 =	simm.s32 $execute0_lowered;
	[smem:$0x3FD2] =	sst s25  }
0xb5: {  	s6 =	sshll.u32 s26, $0x1;
	_ =	strace $0x80000049;
	[dreg:$0x1] =	wrdreg $0xFFFFFFFF  }
0xb6: {  	s28 =	simm.s32 $_size_execute0_lowered;
	s4 =	sadd.s32 s4, s6;
	[dreg:$0x0] =	wrdreg $0x0  }
0xb7: {  	s6 =	sshll.u32 s28, $0x1;
	[dreg:$0x2] =	wrdreg s4  }
0xb8: {  	[dreg:$0x3] =	wrdreg s6  }
0xb9: {  	[dreg:$0x4] =	wrdreg $0xC0  }
0xba: {  	_ =	task [dreg:s22], $0x5FFFF  }
0xbb: {  	[dreg:$0x1] =	wrdreg $0xFFFFFFFF  }
0xbc: {  	[dreg:$0x0] =	wrdreg $0x60  }
0xbd: {  	[dreg:$0x2] =	wrdreg s24  }
0xbe: {  	[dreg:$0x3] =	wrdreg s18  }
0xbf: {  	[dreg:$0x4] =	wrdreg $0x68000  }
0xc0: {  	[dreg:$0x5] =	wrdreg $0x9  }
0xc1: {  	_ =	task.clear_ibuf [dreg:s22], $0x6FFFF;
	_ =	strace $0x90000049  }
0xc2: {  	s29 =	simm.s32 $0x9;
	_ =	strace $0x8000004B  }
0xc3: {  	_ =	swait.ge [sflag:s29], $0x1  }
0xc4: {  	[sflag:s29] =	ssyncadd.s32 $0xFFFFFFFF  }
0xc5: {  	_ =	strace $0x9000004B  }
0xc6: {  	_ =	sfence  }
0xc7: {  	s30 =	sld [smem:$0x0];
	_ =	sdelay $0x2  }
0xc8: {  	s31 =	sshll.u32 s1, $0xD;
	s1 =	sshrl.u32 s1, $0x2  }
0xc9: {  	s4 =	sand.u32 $0x4000, s31;
	s1 =	sadd.s32 s1, s30  }
0xca: {  	s0 =	sor.u32 s4, s0;
	s1 =	sshll.u32 s1, $0x11  }
0xcb: {  	s0 =	sor.u32 s1, s0  }
0xcc: {  	s0 =	sadd.s32 $0x8F2B, s0  }
0xcd: {  	[sflag:s0] =	ssyncadd.remote.s32 $0x1  }
0xce: {  	_ =	sfence.sel $0xFFFF  }
0xcf: {  	[dreg:$0x0] =	wrdreg $0xFFFFFFFF;
	(pc) =	sbr.abs _section_cstart, $3  }
0xd0: {  	[dreg:$0x1] =	wrdreg $0xFFFFFFFF  }
0xd1: {  	_ =	task.clear_ibuf [dreg:s22], $0x2FFFF;
	_ =	strace $0x9FFFFFFF  }
0xd2: {  	(tm) =	ssettm $0x7FFFFFFF  }
0xd3: {  	_ =	shalt  }
tec
execute0_lowered:
.L_overlay_start_1:
0x0: {  	(tag) =	ssettag $0x1  }
0x1: {  	s6 =	rddreg [dreg:$0x0]  }
0x2: {  	s1 =	srdreg.scid;
	s2 =	rddreg [dreg:$0x1]  }
0x3: {  	s0 =	stileid.u32;
	s3 =	rddreg [dreg:$0x2];
	s4 =	simm.s32 $0x0  }
0x4: {  	s13 =	simm.s32 $0x80;
	s14 =	simm.s32 $0x0;
	s9 =	smul.u32 $0x13C00, s0  }
0x5: {  	s7 =	sand.u32 $0x1, s1;
	s28 =	sshll.u32 s0, $0x1;
	s29 =	smul.u32 $0x4F000, s0  }
0x6: {  	[smem:$0x7FF] =	sst s4;
	s1 =	sor.u32 s7, s28;
	s8 =	smul.u32 $0x13C000, s7  }
0x7: {  	s31 =	sshll.u32 s0, $0x6;
	s7 =	ssub.s32 $0x2, s7;
	s5 =	smul.u32 $0x500, s1  }
0x8: {  	s1 =	rddreg [dreg:$0x3];
	_ =	strace $0x8000004A;
	s30 =	sshrl.u32 s7, $0x1  }
0x9: {  	s8 =	sadd.s32 s9, s8;
	s9 =	sshrl.u32 s29, $0x2;
	s11 =	ssub.s32 s7, s30  }
0xa: {  	s10 =	sadd.s32 s5, s6;
	s5 =	sadd.s32 $0x17000, s6;
	s8 =	sshrl.u32 s8, $0x3  }
0xb: {  	s12 =	sadd.s32 s9, s3;
	s9 =	smax.u32 s11, $0x1;
	s11 =	simm.s32 $0x1  }
0xc: {  	s8 =	sadd.s32 s8, s6;
	s6 =	sor.u32 $0x1C01, s31;
	s7 =	sadd.s32 $0x3000, s10  }
0xd: {  	s10 =	sshrl.u32 s12, $0x3;
	s12 =	simm.s32 $0x2800;
	s8 =	sadd.s32 $0x68800, s8  }
.LBB2_1:
0xe: {  	[spmem:s10], [sflag:s6] =	dma.local [hbm:s5], $0x2780  }
0xf: {  	_ =	swait.ge [sflag:s11], $0x2780  }
0x10: {  	[sflag:s11] =	ssyncset.done $0x0  }
0x11: {  	[sflag:s11] =	ssyncadd.s32 $0xFFFFD880  }
0x12: {  	[tilespmem:s12], [sflag:$0x1] =	stream.linear.gather [hbm4b:s2+s4], $0x4000, $0x38;
	[tilespmem:$0x1A400] =	vst v63  }
0x13: {  	_ =	swait.ge [sflag:s11], $0x4000  }
0x14: {  	[sflag:s11] =	ssyncset.done $0x0  }
0x15: {  	[sflag:s11] =	ssyncadd.s32 $0xFFFFC000  }
0x16: {  	[tilespmem:s4], [sflag:$0x1] =	stream.linear.gather [hbm4b:s7+s4], $0x2780, $0x38;
	[tilespmem:$0x1A400] =	vst v63  }
0x17: {  	_ =	swait.ge [sflag:s11], $0x2780  }
0x18: {  	[sflag:s11] =	ssyncset.done $0x0  }
0x19: {  	[sflag:s11] =	ssyncadd.s32 $0xFFFFD880  }
0x1a: {  	s15 =	simm.s32 $0x0;
	[bflag:$0x0] =	sbarrier.arrive $0xFFFF  }
0x1b: {  	[spmem:s3] =	stream.indirect.scatter.add.f32 [tilespmem:s12], [sflag:$0x1], $0x80, s15, s13, $0xb8;
	[tilespmem:$0x1A400] =	vst v63  }
0x1c: {  	_ =	swait.ge [sflag:s11], $0x4000  }
0x1d: {  	s15 =	simm.s32 $0x200;
	[sflag:s11] =	ssyncset.done $0x0  }
.LBB2_2:
0x1e: {  	s16 =	sshra.s32 s15, $0x2;
	[sflag:s11] =	ssyncadd.s32 $0xFFFFC000;
	p0 =	sne.s32 s15, $0x9C00  }
0x1f: {  	[spmem:s3] =	stream.indirect.scatter.add.f32 [tilespmem:s12], [sflag:$0x1], $0x80, s16, s13, $0xb8;
	[tilespmem:$0x1A400] =	vst v63  }
.Ltmp0:
0x20: {  	_ = 	snop;
	(pc) =	sbr.rel @p0 .LBB2_2-.Ltmp0, $4  }
0x21: {  	_ = 	snop  }
0x22: {  	s15 =	sadd.s32 $0x200, s15  }
0x23: {  	_ =	swait.ge [sflag:s11], $0x4000  }
0x24: {  	[sflag:s11] =	ssyncset.done $0x0  }
0x25: {  	s14 =	sadd.s32 $0x1, s14  }
0x26: {  	[sflag:s11] =	ssyncadd.s32 $0xFFFFC000;
	p0 =	sne.s32 s14, s9  }
.Ltmp1:
0x27: {  	[bflag:$0x0] =	sbarrier.arrive $0xFFFF;
	(pc) =	sbr.rel @p0 .LBB2_1-.Ltmp1, $4  }
0x28: {  	[hbm:s8], [sflag:s6] =	dma.local [spmem:s10], $0x2780  }
0x29: {  	_ =	swait.ge [sflag:s11], $0x2780  }
0x2a: {  	[sflag:s11] =	ssyncset.done $0x0  }
0x2b: {  	[sflag:s11] =	ssyncadd.s32 $0xFFFFD880  }
0x2c: {  	_ =	sfence.sel $0x180000  }
0x2d: {  	[bflag:$0x0] =	sbarrier.arrive $0xFFFF  }
0x2e: {  	p0 =	sne.s32 s0, $0x0;
	_ =	strace $0x9000004A  }
0x2f: {  	s0 =	sadd.s32 @!p0 $0x100000, s1;
	[bflag:$0x2] =	sbarrier.arrive $0xFFFF  }
0x30: {  	[sflag:s0] =	ssyncadd.tile.s32 @!p0 $0x1;
	_ =	shalt  }
.Lfunc_end2:
_tile_overlayer_lowered:
.L_overlay_start_2:
0x31: {  	(tag) =	ssettag $0x2  }
0x32: {  	s0 =	rddreg [dreg:$0x0];
	s2 =	stileid.u32  }
0x33: {  	s1 =	rddreg [dreg:$0x1];
	p0 =	sne.s32 s2, $0x0  }
0x34: {  	s3 =	rddreg [dreg:$0x2];
	[bflag:$0x3] =	sbarrier.arrive $0xFFFF;
	s2 =	simm.s32 @!p0 $0x1C01  }
0x35: {  	[timem:s3], [sflag:s2] =	dma.local @!p0 [hbm:s0], s1  }
0x36: {  	s0 =	simm.s32 @!p0 $0x1  }
0x37: {  	_ =	swait.ge @!p0 [sflag:s0], s1  }
0x38: {  	s1 =	ssub.s32 @!p0 $0x0, s1;
	[sflag:s0] =	ssyncset.done @!p0 $0x0  }
0x39: {  	[sflag:s0] =	ssyncadd.s32 @!p0 s1  }
0x3a: {  	[bflag:$0x3] =	sbarrier.arrive $0xFFFF  }
0x3b: {  	_ =	shalt  }

</sc_bundles>
